<compile_context>
chip_gen: v7x
topology: tpu7x:2x2x1
jax: 0.10.2.dev20260603
libtpu: 0.0.44.dev20260713+nightly
codegen_flags: <defaults>
</compile_context>

<pallas_src>
import functools

import jax
import jax.numpy as jnp
from jax.experimental import pallas as pl
from jax.experimental.pallas import tpu as pltpu
from jax.experimental.pallas import tpu_sc as plsc


def _logits_kernel(ts_ref, wr_ref, br_ref, logits_ref):
    pooled = jnp.mean(ts_ref[...], axis=1)
    logits = jnp.dot(pooled, wr_ref[...],
                     preferred_element_type=jnp.float32) + br_ref[...]
    bsz = logits.shape[0]
    pad = jnp.full((bsz, 8), -1e30, jnp.float32)
    logits_ref[...] = jnp.concatenate([logits, pad], axis=1)


def _sc_router_kernel(logits_hbm, probs_hbm, ti_hbm, tv_hbm, aux_hbm,
                      logits_v, probs_v, ti_v, tv_v, aux_v):
    @pl.when(jnp.logical_and(jax.lax.axis_index("c") == 0,
                             jax.lax.axis_index("s") == 0))
    def _():
        pltpu.sync_copy(logits_hbm, logits_v)
        iota = jax.lax.iota(jnp.int32, 16)
        me = jnp.zeros((16,), jnp.float32)
        for r in range(4):
            v = logits_v[r]
            m = jnp.max(v, axis=0)
            e = jnp.exp(v - m)
            p = e / jnp.sum(e, axis=0)
            probs_v[r] = p
            sk, sv = plsc.sort_key_val(p, iota, descending=True)
            s12 = jnp.sum(jnp.where(iota < 2, sk, 0.0), axis=0)
            tv_v[r] = sk / s12
            ti_v[r] = sv
            me = me + p
        me = me * 0.25
        aux = jnp.sum(me * me, axis=0) * 8.0
        aux_v[...] = jnp.full((16,), aux, jnp.float32)
        pltpu.sync_copy(probs_v, probs_hbm)
        pltpu.sync_copy(ti_v, ti_hbm)
        pltpu.sync_copy(tv_v, tv_hbm)
        pltpu.sync_copy(aux_v, aux_hbm)


def _moe_kernel(nf, idx_ref, wv_ref, x_ref, w1_ref, b1_ref, w2_ref, b2_ref,
                g_ref, bt_ref, out_ref):
    i_bk = pl.program_id(0)
    i_f = pl.program_id(1)
    w = wv_ref[i_bk]

    @pl.when(jnp.logical_and(i_bk % 2 == 0, i_f == 0))
    def _init():
        out_ref[0] = jnp.zeros_like(out_ref[0])

    t = jnp.dot(x_ref[0], w1_ref[0],
                preferred_element_type=jnp.float32).astype(jnp.bfloat16)
    t = t + b1_ref[0].astype(jnp.bfloat16)
    c1 = jnp.bfloat16(0.7978845608028654)
    c2 = jnp.bfloat16(0.7978845608028654 * 0.044715)
    t2 = t * t
    u = t * (c1 + c2 * t2)
    th = jnp.tanh(u)
    half = jnp.bfloat16(0.5)
    h = t * (half + half * th)
    part = jnp.dot(h, (w * w2_ref[0]).astype(jnp.bfloat16),
                   preferred_element_type=jnp.float32)

    @pl.when(i_f == 0)
    def _bias():
        out_ref[0] += w * b2_ref[0]

    out_ref[0] += part

    @pl.when(jnp.logical_and(i_bk % 2 == 1, i_f == nf - 1))
    def _epilogue():
        mixed = out_ref[0]
        mu = jnp.mean(mixed, axis=-1, keepdims=True)
        var = jnp.mean((mixed - mu) ** 2, axis=-1, keepdims=True)
        normed = (mixed - mu) * jax.lax.rsqrt(var + 1e-5)
        out_ref[0] = x_ref[0] + normed * g_ref[...] + bt_ref[...]


def kernel(x, text_state, W1, b1, W2, b2, Wr, br, gamma, beta):
    b, s, d = x.shape
    E, _, ff = W1.shape
    k = 2

    logits_pad = pl.pallas_call(
        _logits_kernel,
        out_shape=jax.ShapeDtypeStruct((b, 16), jnp.float32),
    )(text_state, Wr, br.reshape(1, E))

    sc_router = pl.kernel(
        _sc_router_kernel,
        out_type=(
            jax.ShapeDtypeStruct((b, 16), jnp.float32),
            jax.ShapeDtypeStruct((b, 16), jnp.int32),
            jax.ShapeDtypeStruct((b, 16), jnp.float32),
            jax.ShapeDtypeStruct((16,), jnp.float32),
        ),
        mesh=plsc.VectorSubcoreMesh(core_axis_name="c", subcore_axis_name="s"),
        compiler_params=pltpu.CompilerParams(needs_layout_passes=False),
        scratch_types=[
            pltpu.VMEM((b, 16), jnp.float32),
            pltpu.VMEM((b, 16), jnp.float32),
            pltpu.VMEM((b, 16), jnp.int32),
            pltpu.VMEM((b, 16), jnp.float32),
            pltpu.VMEM((16,), jnp.float32),
        ],
    )
    probs16, ti16, tv16, aux16 = sc_router(logits_pad)
    probs = probs16[:, :E]
    ti = ti16[:, :k]
    tv = tv16[:, :k]
    aux = aux16[0]

    ft = 1024
    nf = ff // ft
    b1r = b1.reshape(E, 1, ff)
    b2r = b2.reshape(E, 1, d)

    grid_spec = pltpu.PrefetchScalarGridSpec(
        num_scalar_prefetch=2,
        grid=(k * b, nf),
        in_specs=[
            pl.BlockSpec((1, s, d), lambda i, j, idx, wv: (i // 2, 0, 0),
                         pipeline_mode=pl.Buffered(buffer_count=1)),
            pl.BlockSpec((1, d, ft), lambda i, j, idx, wv: (idx[i], 0, j)),
            pl.BlockSpec((1, 1, ft), lambda i, j, idx, wv: (idx[i], 0, j)),
            pl.BlockSpec((1, ft, d), lambda i, j, idx, wv: (idx[i], j, 0)),
            pl.BlockSpec((1, 1, d), lambda i, j, idx, wv: (idx[i], 0, 0)),
            pl.BlockSpec((1, d), lambda i, j, idx, wv: (0, 0)),
            pl.BlockSpec((1, d), lambda i, j, idx, wv: (0, 0)),
        ],
        out_specs=pl.BlockSpec((1, s, d), lambda i, j, idx, wv: (i // 2, 0, 0),
                               pipeline_mode=pl.Buffered(buffer_count=1)),
    )

    out = pl.pallas_call(
        functools.partial(_moe_kernel, nf),
        grid_spec=grid_spec,
        out_shape=jax.ShapeDtypeStruct((b, s, d), jnp.float32),
        compiler_params=pltpu.CompilerParams(
            vmem_limit_bytes=63 * 1024 * 1024),
    )(ti.reshape(k * b), tv.reshape(k * b), x, W1, b1r, W2, b2r,
      gamma.reshape(1, d), beta.reshape(1, d))

    return out, probs, aux.reshape(())

# --- scband reference (transcript-rebuilt; emitter-appended) ---
"""Pipeline reference for scband-mo-efeed-forward-88484916232433 (READ-ONLY COPY).

The authoritative reference and input builder live on the scoring server;
editing this copy changes nothing except your own understanding.
"""

import jax, jax.numpy as jnp
import numpy as np

TOP_K = 2

def setup_inputs(seed: int = 0) -> dict:
    key = jax.random.key(seed)
    ks = jax.random.split(key, 8)
    b, s, d = 4, 2048, 1024
    E, ff = 8, 4096
    tl = 77
    sc = 0.02
    x = jax.random.normal(ks[0], (b, s, d), dtype=jnp.float32)
    text_state = jax.random.normal(ks[1], (b, tl, d), dtype=jnp.float32)
    W1 = jax.random.normal(ks[2], (E, d, ff), dtype=jnp.float32) * sc
    b1 = jnp.zeros((E, ff), dtype=jnp.float32)
    W2 = jax.random.normal(ks[3], (E, ff, d), dtype=jnp.float32) * sc
    b2 = jnp.zeros((E, d), dtype=jnp.float32)
    Wr = jax.random.normal(ks[4], (d, E), dtype=jnp.float32) * sc
    br = jnp.zeros((E,), dtype=jnp.float32)
    gamma = jnp.ones((d,), dtype=jnp.float32)
    beta = jnp.zeros((d,), dtype=jnp.float32)
    return {"x": x, "text_state": text_state, "W1": W1, "b1": b1, "W2": W2, "b2": b2, "Wr": Wr, "br": br, "gamma": gamma, "beta": beta}

def reference(x, text_state, W1, b1, W2, b2, Wr, br, gamma, beta):
    # CaptionConditionedRouter: pool caption embedding, route per batch element
    pooled = jnp.mean(text_state, axis=1)                # [b, d]
    logits = pooled @ Wr + br                            # [b, E]
    probs = jax.nn.softmax(logits, axis=-1)              # [b, E]
    topv, topi = jax.lax.top_k(probs, TOP_K)             # [b, k]
    topv = topv / jnp.sum(topv, axis=-1, keepdims=True)
    # gather expert weights per (batch, k) -- expert mixing
    W1e = jnp.take(W1, topi, axis=0)                     # [b, k, d, ff]
    b1e = jnp.take(b1, topi, axis=0)                     # [b, k, ff]
    W2e = jnp.take(W2, topi, axis=0)                     # [b, k, ff, d]
    b2e = jnp.take(b2, topi, axis=0)                     # [b, k, d]
    h = jnp.einsum('bsd,bkdf->bksf', x, W1e) + b1e[:, :, None, :]
    h = jax.nn.gelu(h)
    o = jnp.einsum('bksf,bkfd->bksd', h, W2e) + b2e[:, :, None, :]
    mixed = jnp.sum(topv[:, :, None, None] * o, axis=1)  # [b, s, d]
    # LayerNorm
    mu = jnp.mean(mixed, axis=-1, keepdims=True)
    var = jnp.var(mixed, axis=-1, keepdims=True)
    normed = (mixed - mu) / jnp.sqrt(var + 1e-5) * gamma + beta
    out = x + normed
    # router load-balance aux loss
    me = jnp.mean(probs, axis=0)
    aux_loss = jnp.sum(me * me) * probs.shape[-1]
    return (out, probs, aux_loss)

if __name__ == "__main__":
    import jax
    _d = setup_inputs()
    print(jax.jit(kernel)(*tuple(_d.values())))

</pallas_src>

<mosaic_0001>
#map = affine_map<(d0, d1) -> (0, 0)>
#map1 = affine_map<(d0, d1) -> (0)>
module attributes {stable_mosaic.version = 14 : i64} {
  func.func @_sc_router_kernel(%arg0: i32, %arg1: i32, %arg2: memref<4x16xf32, #tpu.memory_space<hbm>>, %arg3: memref<4x16xf32, #tpu.memory_space<hbm>>, %arg4: memref<4x16xi32, #tpu.memory_space<hbm>>, %arg5: memref<4x16xf32, #tpu.memory_space<hbm>>, %arg6: memref<16xf32, #tpu.memory_space<hbm>>, %arg7: memref<4x16xf32, #tpu.memory_space<vmem>>, %arg8: memref<4x16xf32, #tpu.memory_space<vmem>>, %arg9: memref<4x16xi32, #tpu.memory_space<vmem>>, %arg10: memref<4x16xf32, #tpu.memory_space<vmem>>, %arg11: memref<16xf32, #tpu.memory_space<vmem>>) attributes {dimension_semantics = [#tpu.dimension_semantics<core_parallel>, #tpu.dimension_semantics<subcore_parallel>], iteration_bounds = array<i64: 2, 16>, scalar_prefetch = 0 : i64, scratch_operands = 5 : i64, tpu.core_type = #tpu.core_type<sc_vector_subcore>, window_params = [{transform_indices = #map}, {transform_indices = #map}, {transform_indices = #map}, {transform_indices = #map}, {transform_indices = #map1}]} {
    %eq3A = arith.constant 0 : i32
    %eq3A_0 = arith.cmpi eq, %arg0, %eq3A : i32
    %eq3A_1 = arith.constant 0 : i32
    %eq3A_2 = arith.cmpi eq, %arg1, %eq3A_1 : i32
    %and3A = arith.andi %eq3A_0, %eq3A_2 : i1
    %convert_element_type3A = arith.extui %and3A : i1 to i32
    %cond3A = arith.constant 0 : i32
    %cond3A_3 = arith.cmpi ne, %convert_element_type3A, %cond3A : i32
    scf.if %cond3A_3 {
      "tpu.region"() ({
        %run_scoped3A = tpu.sem_alloc : memref<!tpu.dma_semaphore, #tpu.memory_space<semaphore_mem>>
        tpu.enqueue_dma source(%arg2 : memref<4x16xf32, #tpu.memory_space<hbm>>) target(%arg7 : memref<4x16xf32, #tpu.memory_space<vmem>>) target_semaphore(%run_scoped3A : memref<!tpu.dma_semaphore, #tpu.memory_space<semaphore_mem>>)
        tpu.wait_dma2 semaphore(%run_scoped3A : memref<!tpu.dma_semaphore, #tpu.memory_space<semaphore_mem>>) src(%arg2 : memref<4x16xf32, #tpu.memory_space<hbm>>) dst(%arg7 : memref<4x16xf32, #tpu.memory_space<vmem>>)
        tpu.yield
      }) : () -> ()
      %iota3A = tpu.iota {dimensions = array<i32: 0>} : vector<16xi32>
      %broadcast_in_dim3A = arith.constant 0.000000e+00 : f32
      %broadcast_in_dim3A_4 = vector.broadcast %broadcast_in_dim3A : f32 to vector<16xf32>
      %get3A = arith.constant 0 : i32
      %get3A_5 = arith.index_cast %get3A : i32 to index
      %get3A_6 = arith.constant 0 : index
      %get3A_7 = tpu.vector_load %arg7[%get3A_5, %get3A_6] {strides = array<i32>} : memref<4x16xf32, #tpu.memory_space<vmem>>, vector<16xf32>,
      %reduce_max3A = arith.constant true
      %reduce_max3A_8 = vector.broadcast %reduce_max3A : i1 to vector<16xi1>
      %reduce_max3A_9 = tpu.scan <max>, %get3A_7 masked %reduce_max3A_8 : vector<16xf32>, vector<16xi1> -> vector<16xf32>
      %reduce_max3A_10 = vector.extract %reduce_max3A_9[15] : f32 from vector<16xf32>
      %sub3A = vector.broadcast %reduce_max3A_10 : f32 to vector<16xf32>
      %sub3A_11 = arith.subf %get3A_7, %sub3A : vector<16xf32>
      %exp3A = math.exp %sub3A_11 : vector<16xf32>
      %reduce_sum3A = arith.constant true
      %reduce_sum3A_12 = vector.broadcast %reduce_sum3A : i1 to vector<16xi1>
      %reduce_sum3A_13 = tpu.scan <sum>, %exp3A masked %reduce_sum3A_12 : vector<16xf32>, vector<16xi1> -> vector<16xf32>
      %reduce_sum3A_14 = vector.extract %reduce_sum3A_13[15] : f32 from vector<16xf32>
      %div3A = vector.broadcast %reduce_sum3A_14 : f32 to vector<16xf32>
      %div3A_15 = arith.divf %exp3A, %div3A : vector<16xf32>
      %swap3A = arith.constant 0 : i32
      %swap3A_16 = arith.index_cast %swap3A : i32 to index
      %swap3A_17 = arith.constant 0 : index
      %swap3A_18 = tpu.vector_load %arg8[%swap3A_16, %swap3A_17] {strides = array<i32>} : memref<4x16xf32, #tpu.memory_space<vmem>>, vector<16xf32>,
      tpu.vector_store %arg8[%swap3A_16, %swap3A_17], %div3A_15 {strides = array<i32>} : memref<4x16xf32, #tpu.memory_space<vmem>>, vector<16xf32>,
      %masked_sort3A = arith.constant dense<true> : vector<16xi1>
      %masked_sort3A_19, %masked_sort3A_20, %masked_sort3A_21 = tpu.sort %div3A_15, %iota3A masked %masked_sort3A {descending = true} : (vector<16xf32>, vector<16xi32>, vector<16xi1>) -> (vector<16xi1>, vector<16xf32>, vector<16xi32>)
      %lt3A = arith.constant 2 : i32
      %lt3A_22 = vector.broadcast %lt3A : i32 to vector<16xi32>
      %lt3A_23 = arith.cmpi slt, %iota3A, %lt3A_22 : vector<16xi32>
      %jit3A = arith.constant 0.000000e+00 : f32
      %broadcast_in_dim3A_24 = vector.broadcast %jit3A : f32 to vector<16xf32>
      %select_n3A = arith.select %lt3A_23, %masked_sort3A_20, %broadcast_in_dim3A_24 : vector<16xi1>, vector<16xf32>
      %reduce_sum3A_25 = arith.constant true
      %reduce_sum3A_26 = vector.broadcast %reduce_sum3A_25 : i1 to vector<16xi1>
      %reduce_sum3A_27 = tpu.scan <sum>, %select_n3A masked %reduce_sum3A_26 : vector<16xf32>, vector<16xi1> -> vector<16xf32>
      %reduce_sum3A_28 = vector.extract %reduce_sum3A_27[15] : f32 from vector<16xf32>
      %div3A_29 = vector.broadcast %reduce_sum3A_28 : f32 to vector<16xf32>
      %div3A_30 = arith.divf %masked_sort3A_20, %div3A_29 : vector<16xf32>
      %swap3A_31 = arith.constant 0 : i32
      %swap3A_32 = arith.index_cast %swap3A_31 : i32 to index
      %swap3A_33 = arith.constant 0 : index
      %swap3A_34 = tpu.vector_load %arg10[%swap3A_32, %swap3A_33] {strides = array<i32>} : memref<4x16xf32, #tpu.memory_space<vmem>>, vector<16xf32>,
      tpu.vector_store %arg10[%swap3A_32, %swap3A_33], %div3A_30 {strides = array<i32>} : memref<4x16xf32, #tpu.memory_space<vmem>>, vector<16xf32>,
      %swap3A_35 = arith.constant 0 : i32
      %swap3A_36 = arith.index_cast %swap3A_35 : i32 to index
      %swap3A_37 = arith.constant 0 : index
      %swap3A_38 = tpu.vector_load %arg9[%swap3A_36, %swap3A_37] {strides = array<i32>} : memref<4x16xi32, #tpu.memory_space<vmem>>, vector<16xi32>,
      tpu.vector_store %arg9[%swap3A_36, %swap3A_37], %masked_sort3A_21 {strides = array<i32>} : memref<4x16xi32, #tpu.memory_space<vmem>>, vector<16xi32>,
      %add3A = arith.addf %broadcast_in_dim3A_4, %div3A_15 : vector<16xf32>
      %get3A_39 = arith.constant 1 : i32
      %get3A_40 = arith.index_cast %get3A_39 : i32 to index
      %get3A_41 = arith.constant 0 : index
      %get3A_42 = tpu.vector_load %arg7[%get3A_40, %get3A_41] {strides = array<i32>} : memref<4x16xf32, #tpu.memory_space<vmem>>, vector<16xf32>,
      %reduce_max3A_43 = arith.constant true
      %reduce_max3A_44 = vector.broadcast %reduce_max3A_43 : i1 to vector<16xi1>
      %reduce_max3A_45 = tpu.scan <max>, %get3A_42 masked %reduce_max3A_44 : vector<16xf32>, vector<16xi1> -> vector<16xf32>
      %reduce_max3A_46 = vector.extract %reduce_max3A_45[15] : f32 from vector<16xf32>
      %sub3A_47 = vector.broadcast %reduce_max3A_46 : f32 to vector<16xf32>
      %sub3A_48 = arith.subf %get3A_42, %sub3A_47 : vector<16xf32>
      %exp3A_49 = math.exp %sub3A_48 : vector<16xf32>
      %reduce_sum3A_50 = arith.constant true
      %reduce_sum3A_51 = vector.broadcast %reduce_sum3A_50 : i1 to vector<16xi1>
      %reduce_sum3A_52 = tpu.scan <sum>, %exp3A_49 masked %reduce_sum3A_51 : vector<16xf32>, vector<16xi1> -> vector<16xf32>
      %reduce_sum3A_53 = vector.extract %reduce_sum3A_52[15] : f32 from vector<16xf32>
      %div3A_54 = vector.broadcast %reduce_sum3A_53 : f32 to vector<16xf32>
      %div3A_55 = arith.divf %exp3A_49, %div3A_54 : vector<16xf32>
      %swap3A_56 = arith.constant 1 : i32
      %swap3A_57 = arith.index_cast %swap3A_56 : i32 to index
      %swap3A_58 = arith.constant 0 : index
      %swap3A_59 = tpu.vector_load %arg8[%swap3A_57, %swap3A_58] {strides = array<i32>} : memref<4x16xf32, #tpu.memory_space<vmem>>, vector<16xf32>,
      tpu.vector_store %arg8[%swap3A_57, %swap3A_58], %div3A_55 {strides = array<i32>} : memref<4x16xf32, #tpu.memory_space<vmem>>, vector<16xf32>,
      %masked_sort3A_60 = arith.constant dense<true> : vector<16xi1>
      %masked_sort3A_61, %masked_sort3A_62, %masked_sort3A_63 = tpu.sort %div3A_55, %iota3A masked %masked_sort3A_60 {descending = true} : (vector<16xf32>, vector<16xi32>, vector<16xi1>) -> (vector<16xi1>, vector<16xf32>, vector<16xi32>)
      %lt3A_64 = arith.constant 2 : i32
      %lt3A_65 = vector.broadcast %lt3A_64 : i32 to vector<16xi32>
      %lt3A_66 = arith.cmpi slt, %iota3A, %lt3A_65 : vector<16xi32>
      %jit3A_67 = arith.constant 0.000000e+00 : f32
      %broadcast_in_dim3A_68 = vector.broadcast %jit3A_67 : f32 to vector<16xf32>
      %select_n3A_69 = arith.select %lt3A_66, %masked_sort3A_62, %broadcast_in_dim3A_68 : vector<16xi1>, vector<16xf32>
      %reduce_sum3A_70 = arith.constant true
      %reduce_sum3A_71 = vector.broadcast %reduce_sum3A_70 : i1 to vector<16xi1>
      %reduce_sum3A_72 = tpu.scan <sum>, %select_n3A_69 masked %reduce_sum3A_71 : vector<16xf32>, vector<16xi1> -> vector<16xf32>
      %reduce_sum3A_73 = vector.extract %reduce_sum3A_72[15] : f32 from vector<16xf32>
      %div3A_74 = vector.broadcast %reduce_sum3A_73 : f32 to vector<16xf32>
      %div3A_75 = arith.divf %masked_sort3A_62, %div3A_74 : vector<16xf32>
      %swap3A_76 = arith.constant 1 : i32
      %swap3A_77 = arith.index_cast %swap3A_76 : i32 to index
      %swap3A_78 = arith.constant 0 : index
      %swap3A_79 = tpu.vector_load %arg10[%swap3A_77, %swap3A_78] {strides = array<i32>} : memref<4x16xf32, #tpu.memory_space<vmem>>, vector<16xf32>,
      tpu.vector_store %arg10[%swap3A_77, %swap3A_78], %div3A_75 {strides = array<i32>} : memref<4x16xf32, #tpu.memory_space<vmem>>, vector<16xf32>,
      %swap3A_80 = arith.constant 1 : i32
      %swap3A_81 = arith.index_cast %swap3A_80 : i32 to index
      %swap3A_82 = arith.constant 0 : index
      %swap3A_83 = tpu.vector_load %arg9[%swap3A_81, %swap3A_82] {strides = array<i32>} : memref<4x16xi32, #tpu.memory_space<vmem>>, vector<16xi32>,
      tpu.vector_store %arg9[%swap3A_81, %swap3A_82], %masked_sort3A_63 {strides = array<i32>} : memref<4x16xi32, #tpu.memory_space<vmem>>, vector<16xi32>,
      %add3A_84 = arith.addf %add3A, %div3A_55 : vector<16xf32>
      %get3A_85 = arith.constant 2 : i32
      %get3A_86 = arith.index_cast %get3A_85 : i32 to index
      %get3A_87 = arith.constant 0 : index
      %get3A_88 = tpu.vector_load %arg7[%get3A_86, %get3A_87] {strides = array<i32>} : memref<4x16xf32, #tpu.memory_space<vmem>>, vector<16xf32>,
      %reduce_max3A_89 = arith.constant true
      %reduce_max3A_90 = vector.broadcast %reduce_max3A_89 : i1 to vector<16xi1>
      %reduce_max3A_91 = tpu.scan <max>, %get3A_88 masked %reduce_max3A_90 : vector<16xf32>, vector<16xi1> -> vector<16xf32>
      %reduce_max3A_92 = vector.extract %reduce_max3A_91[15] : f32 from vector<16xf32>
      %sub3A_93 = vector.broadcast %reduce_max3A_92 : f32 to vector<16xf32>
      %sub3A_94 = arith.subf %get3A_88, %sub3A_93 : vector<16xf32>
      %exp3A_95 = math.exp %sub3A_94 : vector<16xf32>
      %reduce_sum3A_96 = arith.constant true
      %reduce_sum3A_97 = vector.broadcast %reduce_sum3A_96 : i1 to vector<16xi1>
      %reduce_sum3A_98 = tpu.scan <sum>, %exp3A_95 masked %reduce_sum3A_97 : vector<16xf32>, vector<16xi1> -> vector<16xf32>
      %reduce_sum3A_99 = vector.extract %reduce_sum3A_98[15] : f32 from vector<16xf32>
      %div3A_100 = vector.broadcast %reduce_sum3A_99 : f32 to vector<16xf32>
      %div3A_101 = arith.divf %exp3A_95, %div3A_100 : vector<16xf32>
      %swap3A_102 = arith.constant 2 : i32
      %swap3A_103 = arith.index_cast %swap3A_102 : i32 to index
      %swap3A_104 = arith.constant 0 : index
      %swap3A_105 = tpu.vector_load %arg8[%swap3A_103, %swap3A_104] {strides = array<i32>} : memref<4x16xf32, #tpu.memory_space<vmem>>, vector<16xf32>,
      tpu.vector_store %arg8[%swap3A_103, %swap3A_104], %div3A_101 {strides = array<i32>} : memref<4x16xf32, #tpu.memory_space<vmem>>, vector<16xf32>,
      %masked_sort3A_106 = arith.constant dense<true> : vector<16xi1>
      %masked_sort3A_107, %masked_sort3A_108, %masked_sort3A_109 = tpu.sort %div3A_101, %iota3A masked %masked_sort3A_106 {descending = true} : (vector<16xf32>, vector<16xi32>, vector<16xi1>) -> (vector<16xi1>, vector<16xf32>, vector<16xi32>)
      %lt3A_110 = arith.constant 2 : i32
      %lt3A_111 = vector.broadcast %lt3A_110 : i32 to vector<16xi32>
      %lt3A_112 = arith.cmpi slt, %iota3A, %lt3A_111 : vector<16xi32>
      %jit3A_113 = arith.constant 0.000000e+00 : f32
      %broadcast_in_dim3A_114 = vector.broadcast %jit3A_113 : f32 to vector<16xf32>
      %select_n3A_115 = arith.select %lt3A_112, %masked_sort3A_108, %broadcast_in_dim3A_114 : vector<16xi1>, vector<16xf32>
      %reduce_sum3A_116 = arith.constant true
      %reduce_sum3A_117 = vector.broadcast %reduce_sum3A_116 : i1 to vector<16xi1>
      %reduce_sum3A_118 = tpu.scan <sum>, %select_n3A_115 masked %reduce_sum3A_117 : vector<16xf32>, vector<16xi1> -> vector<16xf32>
      %reduce_sum3A_119 = vector.extract %reduce_sum3A_118[15] : f32 from vector<16xf32>
      %div3A_120 = vector.broadcast %reduce_sum3A_119 : f32 to vector<16xf32>
      %div3A_121 = arith.divf %masked_sort3A_108, %div3A_120 : vector<16xf32>
      %swap3A_122 = arith.constant 2 : i32
      %swap3A_123 = arith.index_cast %swap3A_122 : i32 to index
      %swap3A_124 = arith.constant 0 : index
      %swap3A_125 = tpu.vector_load %arg10[%swap3A_123, %swap3A_124] {strides = array<i32>} : memref<4x16xf32, #tpu.memory_space<vmem>>, vector<16xf32>,
      tpu.vector_store %arg10[%swap3A_123, %swap3A_124], %div3A_121 {strides = array<i32>} : memref<4x16xf32, #tpu.memory_space<vmem>>, vector<16xf32>,
      %swap3A_126 = arith.constant 2 : i32
      %swap3A_127 = arith.index_cast %swap3A_126 : i32 to index
      %swap3A_128 = arith.constant 0 : index
      %swap3A_129 = tpu.vector_load %arg9[%swap3A_127, %swap3A_128] {strides = array<i32>} : memref<4x16xi32, #tpu.memory_space<vmem>>, vector<16xi32>,
      tpu.vector_store %arg9[%swap3A_127, %swap3A_128], %masked_sort3A_109 {strides = array<i32>} : memref<4x16xi32, #tpu.memory_space<vmem>>, vector<16xi32>,
      %add3A_130 = arith.addf %add3A_84, %div3A_101 : vector<16xf32>
      %get3A_131 = arith.constant 3 : i32
      %get3A_132 = arith.index_cast %get3A_131 : i32 to index
      %get3A_133 = arith.constant 0 : index
      %get3A_134 = tpu.vector_load %arg7[%get3A_132, %get3A_133] {strides = array<i32>} : memref<4x16xf32, #tpu.memory_space<vmem>>, vector<16xf32>,
      %reduce_max3A_135 = arith.constant true
      %reduce_max3A_136 = vector.broadcast %reduce_max3A_135 : i1 to vector<16xi1>
      %reduce_max3A_137 = tpu.scan <max>, %get3A_134 masked %reduce_max3A_136 : vector<16xf32>, vector<16xi1> -> vector<16xf32>
      %reduce_max3A_138 = vector.extract %reduce_max3A_137[15] : f32 from vector<16xf32>
      %sub3A_139 = vector.broadcast %reduce_max3A_138 : f32 to vector<16xf32>
      %sub3A_140 = arith.subf %get3A_134, %sub3A_139 : vector<16xf32>
      %exp3A_141 = math.exp %sub3A_140 : vector<16xf32>
      %reduce_sum3A_142 = arith.constant true
      %reduce_sum3A_143 = vector.broadcast %reduce_sum3A_142 : i1 to vector<16xi1>
      %reduce_sum3A_144 = tpu.scan <sum>, %exp3A_141 masked %reduce_sum3A_143 : vector<16xf32>, vector<16xi1> -> vector<16xf32>
      %reduce_sum3A_145 = vector.extract %reduce_sum3A_144[15] : f32 from vector<16xf32>
      %div3A_146 = vector.broadcast %reduce_sum3A_145 : f32 to vector<16xf32>
      %div3A_147 = arith.divf %exp3A_141, %div3A_146 : vector<16xf32>
      %swap3A_148 = arith.constant 3 : i32
      %swap3A_149 = arith.index_cast %swap3A_148 : i32 to index
      %swap3A_150 = arith.constant 0 : index
      %swap3A_151 = tpu.vector_load %arg8[%swap3A_149, %swap3A_150] {strides = array<i32>} : memref<4x16xf32, #tpu.memory_space<vmem>>, vector<16xf32>,
      tpu.vector_store %arg8[%swap3A_149, %swap3A_150], %div3A_147 {strides = array<i32>} : memref<4x16xf32, #tpu.memory_space<vmem>>, vector<16xf32>,
      %masked_sort3A_152 = arith.constant dense<true> : vector<16xi1>
      %masked_sort3A_153, %masked_sort3A_154, %masked_sort3A_155 = tpu.sort %div3A_147, %iota3A masked %masked_sort3A_152 {descending = true} : (vector<16xf32>, vector<16xi32>, vector<16xi1>) -> (vector<16xi1>, vector<16xf32>, vector<16xi32>)
      %lt3A_156 = arith.constant 2 : i32
      %lt3A_157 = vector.broadcast %lt3A_156 : i32 to vector<16xi32>
      %lt3A_158 = arith.cmpi slt, %iota3A, %lt3A_157 : vector<16xi32>
      %jit3A_159 = arith.constant 0.000000e+00 : f32
      %broadcast_in_dim3A_160 = vector.broadcast %jit3A_159 : f32 to vector<16xf32>
      %select_n3A_161 = arith.select %lt3A_158, %masked_sort3A_154, %broadcast_in_dim3A_160 : vector<16xi1>, vector<16xf32>
      %reduce_sum3A_162 = arith.constant true
      %reduce_sum3A_163 = vector.broadcast %reduce_sum3A_162 : i1 to vector<16xi1>
      %reduce_sum3A_164 = tpu.scan <sum>, %select_n3A_161 masked %reduce_sum3A_163 : vector<16xf32>, vector<16xi1> -> vector<16xf32>
      %reduce_sum3A_165 = vector.extract %reduce_sum3A_164[15] : f32 from vector<16xf32>
      %div3A_166 = vector.broadcast %reduce_sum3A_165 : f32 to vector<16xf32>
      %div3A_167 = arith.divf %masked_sort3A_154, %div3A_166 : vector<16xf32>
      %swap3A_168 = arith.constant 3 : i32
      %swap3A_169 = arith.index_cast %swap3A_168 : i32 to index
      %swap3A_170 = arith.constant 0 : index
      %swap3A_171 = tpu.vector_load %arg10[%swap3A_169, %swap3A_170] {strides = array<i32>} : memref<4x16xf32, #tpu.memory_space<vmem>>, vector<16xf32>,
      tpu.vector_store %arg10[%swap3A_169, %swap3A_170], %div3A_167 {strides = array<i32>} : memref<4x16xf32, #tpu.memory_space<vmem>>, vector<16xf32>,
      %swap3A_172 = arith.constant 3 : i32
      %swap3A_173 = arith.index_cast %swap3A_172 : i32 to index
      %swap3A_174 = arith.constant 0 : index
      %swap3A_175 = tpu.vector_load %arg9[%swap3A_173, %swap3A_174] {strides = array<i32>} : memref<4x16xi32, #tpu.memory_space<vmem>>, vector<16xi32>,
      tpu.vector_store %arg9[%swap3A_173, %swap3A_174], %masked_sort3A_155 {strides = array<i32>} : memref<4x16xi32, #tpu.memory_space<vmem>>, vector<16xi32>,
      %add3A_176 = arith.addf %add3A_130, %div3A_147 : vector<16xf32>
      %mul3A = arith.constant 2.500000e-01 : f32
      %mul3A_177 = vector.broadcast %mul3A : f32 to vector<16xf32>
      %mul3A_178 = arith.mulf %add3A_176, %mul3A_177 : vector<16xf32>
      %mul3A_179 = arith.mulf %mul3A_178, %mul3A_178 : vector<16xf32>
      %reduce_sum3A_180 = arith.constant true
      %reduce_sum3A_181 = vector.broadcast %reduce_sum3A_180 : i1 to vector<16xi1>
      %reduce_sum3A_182 = tpu.scan <sum>, %mul3A_179 masked %reduce_sum3A_181 : vector<16xf32>, vector<16xi1> -> vector<16xf32>
      %reduce_sum3A_183 = vector.extract %reduce_sum3A_182[15] : f32 from vector<16xf32>
      %mul3A_184 = arith.constant 8.000000e+00 : f32
      %mul3A_185 = arith.mulf %reduce_sum3A_183, %mul3A_184 : f32
      %broadcast_in_dim3A_186 = vector.broadcast %mul3A_185 : f32 to vector<16xf32>
      %swap3A_187 = arith.constant 0 : index
      %swap3A_188 = tpu.vector_load %arg11[%swap3A_187] {strides = array<i32>} : memref<16xf32, #tpu.memory_space<vmem>>, vector<16xf32>,
      tpu.vector_store %arg11[%swap3A_187], %broadcast_in_dim3A_186 {strides = array<i32>} : memref<16xf32, #tpu.memory_space<vmem>>, vector<16xf32>,
      "tpu.region"() ({
        %run_scoped3A = tpu.sem_alloc : memref<!tpu.dma_semaphore, #tpu.memory_space<semaphore_mem>>
        tpu.enqueue_dma source(%arg8 : memref<4x16xf32, #tpu.memory_space<vmem>>) target(%arg3 : memref<4x16xf32, #tpu.memory_space<hbm>>) target_semaphore(%run_scoped3A : memref<!tpu.dma_semaphore, #tpu.memory_space<semaphore_mem>>)
        tpu.wait_dma2 semaphore(%run_scoped3A : memref<!tpu.dma_semaphore, #tpu.memory_space<semaphore_mem>>) src(%arg8 : memref<4x16xf32, #tpu.memory_space<vmem>>) dst(%arg3 : memref<4x16xf32, #tpu.memory_space<hbm>>)
        tpu.yield
      }) : () -> ()
      "tpu.region"() ({
        %run_scoped3A = tpu.sem_alloc : memref<!tpu.dma_semaphore, #tpu.memory_space<semaphore_mem>>
        tpu.enqueue_dma source(%arg9 : memref<4x16xi32, #tpu.memory_space<vmem>>) target(%arg4 : memref<4x16xi32, #tpu.memory_space<hbm>>) target_semaphore(%run_scoped3A : memref<!tpu.dma_semaphore, #tpu.memory_space<semaphore_mem>>)
        tpu.wait_dma2 semaphore(%run_scoped3A : memref<!tpu.dma_semaphore, #tpu.memory_space<semaphore_mem>>) src(%arg9 : memref<4x16xi32, #tpu.memory_space<vmem>>) dst(%arg4 : memref<4x16xi32, #tpu.memory_space<hbm>>)
        tpu.yield
      }) : () -> ()
      "tpu.region"() ({
        %run_scoped3A = tpu.sem_alloc : memref<!tpu.dma_semaphore, #tpu.memory_space<semaphore_mem>>
        tpu.enqueue_dma source(%arg10 : memref<4x16xf32, #tpu.memory_space<vmem>>) target(%arg5 : memref<4x16xf32, #tpu.memory_space<hbm>>) target_semaphore(%run_scoped3A : memref<!tpu.dma_semaphore, #tpu.memory_space<semaphore_mem>>)
        tpu.wait_dma2 semaphore(%run_scoped3A : memref<!tpu.dma_semaphore, #tpu.memory_space<semaphore_mem>>) src(%arg10 : memref<4x16xf32, #tpu.memory_space<vmem>>) dst(%arg5 : memref<4x16xf32, #tpu.memory_space<hbm>>)
        tpu.yield
      }) : () -> ()
      "tpu.region"() ({
        %run_scoped3A = tpu.sem_alloc : memref<!tpu.dma_semaphore, #tpu.memory_space<semaphore_mem>>
        tpu.enqueue_dma source(%arg11 : memref<16xf32, #tpu.memory_space<vmem>>) target(%arg6 : memref<16xf32, #tpu.memory_space<hbm>>) target_semaphore(%run_scoped3A : memref<!tpu.dma_semaphore, #tpu.memory_space<semaphore_mem>>)
        tpu.wait_dma2 semaphore(%run_scoped3A : memref<!tpu.dma_semaphore, #tpu.memory_space<semaphore_mem>>) src(%arg11 : memref<16xf32, #tpu.memory_space<vmem>>) dst(%arg6 : memref<16xf32, #tpu.memory_space<hbm>>)
        tpu.yield
      }) : () -> ()
    } else {
    }
    return
  }
}

module attributes {stable_mosaic.version = 14 : i64} {
  func.func @_logits_kernel(%arg0: memref<4x77x1024xf32, #tpu.memory_space<vmem>>, %arg1: memref<1024x8xf32, #tpu.memory_space<vmem>>, %arg2: memref<1x8xf32, #tpu.memory_space<vmem>>, %arg3: memref<4x16xf32, #tpu.memory_space<vmem>>) attributes {dimension_semantics = [], scalar_prefetch = 0 : i64, scratch_operands = 0 : i64, tpu.core_type = #tpu.core_type<tc>} {
    %get3A = arith.constant 0 : index
    %get3A_0 = arith.constant 0 : index
    %get3A_1 = arith.constant 0 : index
    %get3A_2 = vector.load %arg0[%get3A, %get3A_0, %get3A_1] : memref<4x77x1024xf32, #tpu.memory_space<vmem>>, vector<4x77x1024xf32>
    %reduce_sum3A = arith.constant dense<0.000000e+00> : vector<4x1024xf32>
    %reduce_sum3A_3 = vector.multi_reduction <add>, %get3A_2, %reduce_sum3A [1] : vector<4x77x1024xf32> to vector<4x1024xf32>
    %div3A = arith.constant 7.700000e+01 : f32
    %div3A_4 = vector.broadcast %div3A : f32 to vector<4x1024xf32>
    %div3A_5 = arith.divf %reduce_sum3A_3, %div3A_4 : vector<4x1024xf32>
    %get3A_6 = arith.constant 0 : index
    %get3A_7 = arith.constant 0 : index
    %get3A_8 = vector.load %arg1[%get3A_6, %get3A_7] : memref<1024x8xf32, #tpu.memory_space<vmem>>, vector<1024x8xf32>
    %dot_general3A = arith.constant dense<0.000000e+00> : vector<4x8xf32>
    %dot_general3A_9 = tpu.matmul %div3A_5, %get3A_8, %dot_general3A {dimension_numbers = #tpu.dot_dimension_numbers<[1], [0], [0], [1], [0, 0, 1, 1], [], []>, transpose_lhs_hint = false} : vector<4x1024xf32>, vector<1024x8xf32>, vector<4x8xf32> -> vector<4x8xf32>
    %get3A_10 = arith.constant 0 : index
    %get3A_11 = arith.constant 0 : index
    %get3A_12 = vector.load %arg2[%get3A_10, %get3A_11] : memref<1x8xf32, #tpu.memory_space<vmem>>, vector<1x8xf32>
    %add3A = vector.broadcast %get3A_12 : vector<1x8xf32> to vector<4x8xf32>
    %add3A_13 = arith.addf %dot_general3A_9, %add3A : vector<4x8xf32>
    %broadcast_in_dim3A = arith.constant -1.000000e+30 : f32
    %broadcast_in_dim3A_14 = vector.broadcast %broadcast_in_dim3A : f32 to vector<4x8xf32>
    %concatenate3A = tpu.concatenate %add3A_13, %broadcast_in_dim3A_14 in 1 : vector<4x8xf32>, vector<4x8xf32> -> vector<4x16xf32>
    %swap3A = arith.constant 0 : index
    %swap3A_15 = arith.constant 0 : index
    %swap3A_16 = vector.load %arg3[%swap3A, %swap3A_15] : memref<4x16xf32, #tpu.memory_space<vmem>>, vector<4x16xf32>
    tpu.vector_store %arg3[%swap3A, %swap3A_15], %concatenate3A {strides = array<i32>} : memref<4x16xf32, #tpu.memory_space<vmem>>, vector<4x16xf32>,
    return
  }
}

module attributes {stable_mosaic.version = 14 : i64} {
  func.func @_moe_kernel(%arg0: i32, %arg1: i32, %arg2: memref<8xi32, #tpu.memory_space<smem>>, %arg3: memref<8xf32, #tpu.memory_space<smem>>, %arg4: memref<1x2048x1024xf32, #tpu.memory_space<vmem>>, %arg5: memref<1x1024x1024xf32, #tpu.memory_space<vmem>>, %arg6: memref<1x1x1024xf32, #tpu.memory_space<vmem>>, %arg7: memref<1x1024x1024xf32, #tpu.memory_space<vmem>>, %arg8: memref<1x1x1024xf32, #tpu.memory_space<vmem>>, %arg9: memref<1x1024xf32, #tpu.memory_space<vmem>>, %arg10: memref<1x1024xf32, #tpu.memory_space<vmem>>, %arg11: memref<1x2048x1024xf32, #tpu.memory_space<vmem>>) attributes {dimension_semantics = [#tpu.dimension_semantics<arbitrary>, #tpu.dimension_semantics<arbitrary>], iteration_bounds = array<i64: 8, 4>, scalar_prefetch = 2 : i64, scratch_operands = 0 : i64, tpu.core_type = #tpu.core_type<tc>, window_params = [{pipeline_mode = #tpu.pipeline_mode<synchronous>, transform_indices = @transform_0, window_bounds = array<i64: 1, 2048, 1024>}, {transform_indices = @transform_1, window_bounds = array<i64: 1, 1024, 1024>}, {transform_indices = @transform_2, window_bounds = array<i64: 1, 1, 1024>}, {transform_indices = @transform_3, window_bounds = array<i64: 1, 1024, 1024>}, {transform_indices = @transform_4, window_bounds = array<i64: 1, 1, 1024>}, {pipeline_mode = #tpu.pipeline_mode<synchronous>, transform_indices = @transform_5, window_bounds = array<i64: 1, 1024>}, {pipeline_mode = #tpu.pipeline_mode<synchronous>, transform_indices = @transform_6, window_bounds = array<i64: 1, 1024>}, {pipeline_mode = #tpu.pipeline_mode<synchronous>, transform_indices = @transform_7, window_bounds = array<i64: 1, 2048, 1024>}]} {
    %get3A = arith.index_cast %arg0 : i32 to index
    %get3A_0 = memref.load %arg3[%get3A] : memref<8xf32, #tpu.memory_space<smem>>
    %jit3A = arith.constant 2 : i32
    %eq3A = arith.constant 0 : i32
    %eq3A_1 = arith.cmpi eq, %jit3A, %eq3A : i32
    %jit3A_2 = arith.constant 1 : i32
    %select_n3A = arith.select %eq3A_1, %jit3A_2, %jit3A : i32
    %rem3A = arith.remsi %arg0, %select_n3A : i32
    %ne3A = arith.constant 0 : i32
    %ne3A_3 = arith.cmpi ne, %rem3A, %ne3A : i32
    %lt3A = arith.constant 0 : i32
    %lt3A_4 = arith.cmpi slt, %rem3A, %lt3A : i32
    %lt3A_5 = arith.constant 0 : i32
    %lt3A_6 = arith.cmpi slt, %select_n3A, %lt3A_5 : i32
    %ne3A_7 = arith.xori %lt3A_4, %lt3A_6 : i1
    %and3A = arith.andi %ne3A_7, %ne3A_3 : i1
    %add3A = arith.addi %rem3A, %select_n3A : i32
    %select_n3A_8 = arith.select %and3A, %add3A, %rem3A : i32
    %eq3A_9 = arith.constant 0 : i32
    %eq3A_10 = arith.cmpi eq, %select_n3A_8, %eq3A_9 : i32
    %eq3A_11 = arith.constant 0 : i32
    %eq3A_12 = arith.cmpi eq, %arg1, %eq3A_11 : i32
    %and3A_13 = arith.andi %eq3A_10, %eq3A_12 : i1
    %convert_element_type3A = arith.extui %and3A_13 : i1 to i32
    %cond3A = arith.constant 0 : i32
    %cond3A_14 = arith.cmpi ne, %convert_element_type3A, %cond3A : i32
    scf.if %cond3A_14 {
      %broadcast_in_dim3A = arith.constant 0.000000e+00 : f32
      %broadcast_in_dim3A_99 = vector.broadcast %broadcast_in_dim3A : f32 to vector<2048x1024xf32>
      %swap3A_100 = arith.constant 0 : index
      %swap3A_101 = arith.constant 0 : index
      %swap3A_102 = arith.constant 0 : index
      %swap3A_103 = vector.load %arg11[%swap3A_100, %swap3A_101, %swap3A_102] : memref<1x2048x1024xf32, #tpu.memory_space<vmem>>, vector<1x2048x1024xf32>
      %swap3A_104 = vector.shape_cast %swap3A_103 : vector<1x2048x1024xf32> to vector<2048x1024xf32>
      %swap3A_105 = vector.shape_cast %broadcast_in_dim3A_99 : vector<2048x1024xf32> to vector<1x2048x1024xf32>
      tpu.vector_store %arg11[%swap3A_100, %swap3A_101, %swap3A_102], %swap3A_105 {strides = array<i32>} : memref<1x2048x1024xf32, #tpu.memory_space<vmem>>, vector<1x2048x1024xf32>,
    } else {
    }
    %get3A_15 = arith.constant 0 : index
    %get3A_16 = arith.constant 0 : index
    %get3A_17 = arith.constant 0 : index
    %get3A_18 = vector.load %arg4[%get3A_15, %get3A_16, %get3A_17] : memref<1x2048x1024xf32, #tpu.memory_space<vmem>>, vector<1x2048x1024xf32>
    %get3A_19 = vector.shape_cast %get3A_18 : vector<1x2048x1024xf32> to vector<2048x1024xf32>
    %get3A_20 = arith.constant 0 : index
    %get3A_21 = arith.constant 0 : index
    %get3A_22 = arith.constant 0 : index
    %get3A_23 = vector.load %arg5[%get3A_20, %get3A_21, %get3A_22] : memref<1x1024x1024xf32, #tpu.memory_space<vmem>>, vector<1x1024x1024xf32>
    %get3A_24 = vector.shape_cast %get3A_23 : vector<1x1024x1024xf32> to vector<1024x1024xf32>
    %dot_general3A = arith.constant dense<0.000000e+00> : vector<2048x1024xf32>
    %dot_general3A_25 = tpu.matmul %get3A_19, %get3A_24, %dot_general3A {dimension_numbers = #tpu.dot_dimension_numbers<[1], [0], [0], [1], [0, 0, 1, 1], [], []>, transpose_lhs_hint = false} : vector<2048x1024xf32>, vector<1024x1024xf32>, vector<2048x1024xf32> -> vector<2048x1024xf32>
    %convert_element_type3A_26 = arith.truncf %dot_general3A_25 : vector<2048x1024xf32> to vector<2048x1024xbf16>
    %get3A_27 = arith.constant 0 : index
    %get3A_28 = arith.constant 0 : index
    %get3A_29 = arith.constant 0 : index
    %get3A_30 = vector.load %arg6[%get3A_27, %get3A_28, %get3A_29] : memref<1x1x1024xf32, #tpu.memory_space<vmem>>, vector<1x1x1024xf32>
    %get3A_31 = vector.shape_cast %get3A_30 : vector<1x1x1024xf32> to vector<1x1024xf32>
    %convert_element_type3A_32 = arith.truncf %get3A_31 : vector<1x1024xf32> to vector<1x1024xbf16>
    %add3A_33 = vector.broadcast %convert_element_type3A_32 : vector<1x1024xbf16> to vector<2048x1024xbf16>
    %add3A_34 = arith.addf %convert_element_type3A_26, %add3A_33 : vector<2048x1024xbf16>
    %mul3A = arith.mulf %add3A_34, %add3A_34 : vector<2048x1024xbf16>
    %mul3A_35 = arith.constant 3.564450e-02 : bf16
    %mul3A_36 = vector.broadcast %mul3A_35 : bf16 to vector<2048x1024xbf16>
    %mul3A_37 = arith.mulf %mul3A_36, %mul3A : vector<2048x1024xbf16>
    %add3A_38 = arith.constant 7.968750e-01 : bf16
    %add3A_39 = vector.broadcast %add3A_38 : bf16 to vector<2048x1024xbf16>
    %add3A_40 = arith.addf %add3A_39, %mul3A_37 : vector<2048x1024xbf16>
    %mul3A_41 = arith.mulf %add3A_34, %add3A_40 : vector<2048x1024xbf16>
    %tanh3A = math.tanh %mul3A_41 : vector<2048x1024xbf16>
    %mul3A_42 = arith.constant 5.000000e-01 : bf16
    %mul3A_43 = vector.broadcast %mul3A_42 : bf16 to vector<2048x1024xbf16>
    %mul3A_44 = arith.mulf %mul3A_43, %tanh3A : vector<2048x1024xbf16>
    %add3A_45 = arith.constant 5.000000e-01 : bf16
    %add3A_46 = vector.broadcast %add3A_45 : bf16 to vector<2048x1024xbf16>
    %add3A_47 = arith.addf %add3A_46, %mul3A_44 : vector<2048x1024xbf16>
    %mul3A_48 = arith.mulf %add3A_34, %add3A_47 : vector<2048x1024xbf16>
    %get3A_49 = arith.constant 0 : index
    %get3A_50 = arith.constant 0 : index
    %get3A_51 = arith.constant 0 : index
    %get3A_52 = vector.load %arg7[%get3A_49, %get3A_50, %get3A_51] : memref<1x1024x1024xf32, #tpu.memory_space<vmem>>, vector<1x1024x1024xf32>
    %get3A_53 = vector.shape_cast %get3A_52 : vector<1x1024x1024xf32> to vector<1024x1024xf32>
    %mul3A_54 = vector.broadcast %get3A_0 : f32 to vector<1024x1024xf32>
    %mul3A_55 = arith.mulf %mul3A_54, %get3A_53 : vector<1024x1024xf32>
    %convert_element_type3A_56 = arith.truncf %mul3A_55 : vector<1024x1024xf32> to vector<1024x1024xbf16>
    %dot_general3A_57 = arith.constant dense<0.000000e+00> : vector<2048x1024xf32>
    %dot_general3A_58 = tpu.matmul %mul3A_48, %convert_element_type3A_56, %dot_general3A_57 {dimension_numbers = #tpu.dot_dimension_numbers<[1], [0], [0], [1], [0, 0, 1, 1], [], []>, transpose_lhs_hint = false} : vector<2048x1024xbf16>, vector<1024x1024xbf16>, vector<2048x1024xf32> -> vector<2048x1024xf32>
    %eq3A_59 = arith.constant 0 : i32
    %eq3A_60 = arith.cmpi eq, %arg1, %eq3A_59 : i32
    %convert_element_type3A_61 = arith.extui %eq3A_60 : i1 to i32
    %cond3A_62 = arith.constant 0 : i32
    %cond3A_63 = arith.cmpi ne, %convert_element_type3A_61, %cond3A_62 : i32
    scf.if %cond3A_63 {
      %get3A_99 = arith.constant 0 : index
      %get3A_100 = arith.constant 0 : index
      %get3A_101 = arith.constant 0 : index
      %get3A_102 = vector.load %arg11[%get3A_99, %get3A_100, %get3A_101] : memref<1x2048x1024xf32, #tpu.memory_space<vmem>>, vector<1x2048x1024xf32>
      %get3A_103 = vector.shape_cast %get3A_102 : vector<1x2048x1024xf32> to vector<2048x1024xf32>
      %get3A_104 = arith.constant 0 : index
      %get3A_105 = arith.constant 0 : index
      %get3A_106 = arith.constant 0 : index
      %get3A_107 = vector.load %arg8[%get3A_104, %get3A_105, %get3A_106] : memref<1x1x1024xf32, #tpu.memory_space<vmem>>, vector<1x1x1024xf32>
      %get3A_108 = vector.shape_cast %get3A_107 : vector<1x1x1024xf32> to vector<1x1024xf32>
      %mul3A_109 = vector.broadcast %get3A_0 : f32 to vector<1x1024xf32>
      %mul3A_110 = arith.mulf %mul3A_109, %get3A_108 : vector<1x1024xf32>
      %add3A_111 = vector.broadcast %mul3A_110 : vector<1x1024xf32> to vector<2048x1024xf32>
      %add3A_112 = arith.addf %get3A_103, %add3A_111 : vector<2048x1024xf32>
      %swap3A_113 = arith.constant 0 : index
      %swap3A_114 = arith.constant 0 : index
      %swap3A_115 = arith.constant 0 : index
      %swap3A_116 = vector.load %arg11[%swap3A_113, %swap3A_114, %swap3A_115] : memref<1x2048x1024xf32, #tpu.memory_space<vmem>>, vector<1x2048x1024xf32>
      %swap3A_117 = vector.shape_cast %swap3A_116 : vector<1x2048x1024xf32> to vector<2048x1024xf32>
      %swap3A_118 = vector.shape_cast %add3A_112 : vector<2048x1024xf32> to vector<1x2048x1024xf32>
      tpu.vector_store %arg11[%swap3A_113, %swap3A_114, %swap3A_115], %swap3A_118 {strides = array<i32>} : memref<1x2048x1024xf32, #tpu.memory_space<vmem>>, vector<1x2048x1024xf32>,
    } else {
    }
    %get3A_64 = arith.constant 0 : index
    %get3A_65 = arith.constant 0 : index
    %get3A_66 = arith.constant 0 : index
    %get3A_67 = vector.load %arg11[%get3A_64, %get3A_65, %get3A_66] : memref<1x2048x1024xf32, #tpu.memory_space<vmem>>, vector<1x2048x1024xf32>
    %get3A_68 = vector.shape_cast %get3A_67 : vector<1x2048x1024xf32> to vector<2048x1024xf32>
    %add3A_69 = arith.addf %get3A_68, %dot_general3A_58 : vector<2048x1024xf32>
    %swap3A = arith.constant 0 : index
    %swap3A_70 = arith.constant 0 : index
    %swap3A_71 = arith.constant 0 : index
    %swap3A_72 = vector.load %arg11[%swap3A, %swap3A_70, %swap3A_71] : memref<1x2048x1024xf32, #tpu.memory_space<vmem>>, vector<1x2048x1024xf32>
    %swap3A_73 = vector.shape_cast %swap3A_72 : vector<1x2048x1024xf32> to vector<2048x1024xf32>
    %swap3A_74 = vector.shape_cast %add3A_69 : vector<2048x1024xf32> to vector<1x2048x1024xf32>
    tpu.vector_store %arg11[%swap3A, %swap3A_70, %swap3A_71], %swap3A_74 {strides = array<i32>} : memref<1x2048x1024xf32, #tpu.memory_space<vmem>>, vector<1x2048x1024xf32>,
    %jit3A_75 = arith.constant 2 : i32
    %eq3A_76 = arith.constant 0 : i32
    %eq3A_77 = arith.cmpi eq, %jit3A_75, %eq3A_76 : i32
    %jit3A_78 = arith.constant 1 : i32
    %select_n3A_79 = arith.select %eq3A_77, %jit3A_78, %jit3A_75 : i32
    %rem3A_80 = arith.remsi %arg0, %select_n3A_79 : i32
    %ne3A_81 = arith.constant 0 : i32
    %ne3A_82 = arith.cmpi ne, %rem3A_80, %ne3A_81 : i32
    %lt3A_83 = arith.constant 0 : i32
    %lt3A_84 = arith.cmpi slt, %rem3A_80, %lt3A_83 : i32
    %lt3A_85 = arith.constant 0 : i32
    %lt3A_86 = arith.cmpi slt, %select_n3A_79, %lt3A_85 : i32
    %ne3A_87 = arith.xori %lt3A_84, %lt3A_86 : i1
    %and3A_88 = arith.andi %ne3A_87, %ne3A_82 : i1
    %add3A_89 = arith.addi %rem3A_80, %select_n3A_79 : i32
    %select_n3A_90 = arith.select %and3A_88, %add3A_89, %rem3A_80 : i32
    %eq3A_91 = arith.constant 1 : i32
    %eq3A_92 = arith.cmpi eq, %select_n3A_90, %eq3A_91 : i32
    %eq3A_93 = arith.constant 3 : i32
    %eq3A_94 = arith.cmpi eq, %arg1, %eq3A_93 : i32
    %and3A_95 = arith.andi %eq3A_92, %eq3A_94 : i1
    %convert_element_type3A_96 = arith.extui %and3A_95 : i1 to i32
    %cond3A_97 = arith.constant 0 : i32
    %cond3A_98 = arith.cmpi ne, %convert_element_type3A_96, %cond3A_97 : i32
    scf.if %cond3A_98 {
      %get3A_99 = arith.constant 0 : index
      %get3A_100 = arith.constant 0 : index
      %get3A_101 = arith.constant 0 : index
      %get3A_102 = vector.load %arg11[%get3A_99, %get3A_100, %get3A_101] : memref<1x2048x1024xf32, #tpu.memory_space<vmem>>, vector<1x2048x1024xf32>
      %get3A_103 = vector.shape_cast %get3A_102 : vector<1x2048x1024xf32> to vector<2048x1024xf32>
      %reduce_sum3A = arith.constant dense<0.000000e+00> : vector<2048xf32>
      %reduce_sum3A_104 = vector.multi_reduction <add>, %get3A_103, %reduce_sum3A [1] : vector<2048x1024xf32> to vector<2048xf32>
      %broadcast_in_dim3A = vector.shape_cast %reduce_sum3A_104 : vector<2048xf32> to vector<2048x1xf32>
      %div3A = arith.constant 1.024000e+03 : f32
      %div3A_105 = vector.broadcast %div3A : f32 to vector<2048x1xf32>
      %div3A_106 = arith.divf %broadcast_in_dim3A, %div3A_105 : vector<2048x1xf32>
      %sub3A = vector.broadcast %div3A_106 : vector<2048x1xf32> to vector<2048x1024xf32>
      %sub3A_107 = arith.subf %get3A_103, %sub3A : vector<2048x1024xf32>
      %integer_pow3A = arith.mulf %sub3A_107, %sub3A_107 : vector<2048x1024xf32>
      %reduce_sum3A_108 = arith.constant dense<0.000000e+00> : vector<2048xf32>
      %reduce_sum3A_109 = vector.multi_reduction <add>, %integer_pow3A, %reduce_sum3A_108 [1] : vector<2048x1024xf32> to vector<2048xf32>
      %broadcast_in_dim3A_110 = vector.shape_cast %reduce_sum3A_109 : vector<2048xf32> to vector<2048x1xf32>
      %div3A_111 = arith.constant 1.024000e+03 : f32
      %div3A_112 = vector.broadcast %div3A_111 : f32 to vector<2048x1xf32>
      %div3A_113 = arith.divf %broadcast_in_dim3A_110, %div3A_112 : vector<2048x1xf32>
      %sub3A_114 = vector.broadcast %div3A_106 : vector<2048x1xf32> to vector<2048x1024xf32>
      %sub3A_115 = arith.subf %get3A_103, %sub3A_114 : vector<2048x1024xf32>
      %add3A_116 = arith.constant 9.99999974E-6 : f32
      %add3A_117 = vector.broadcast %add3A_116 : f32 to vector<2048x1xf32>
      %add3A_118 = arith.addf %div3A_113, %add3A_117 : vector<2048x1xf32>
      %rsqrt3A = math.rsqrt %add3A_118 : vector<2048x1xf32>
      %mul3A_119 = vector.broadcast %rsqrt3A : vector<2048x1xf32> to vector<2048x1024xf32>
      %mul3A_120 = arith.mulf %sub3A_115, %mul3A_119 : vector<2048x1024xf32>
      %get3A_121 = arith.constant 0 : index
      %get3A_122 = arith.constant 0 : index
      %get3A_123 = arith.constant 0 : index
      %get3A_124 = vector.load %arg4[%get3A_121, %get3A_122, %get3A_123] : memref<1x2048x1024xf32, #tpu.memory_space<vmem>>, vector<1x2048x1024xf32>
      %get3A_125 = vector.shape_cast %get3A_124 : vector<1x2048x1024xf32> to vector<2048x1024xf32>
      %get3A_126 = arith.constant 0 : index
      %get3A_127 = arith.constant 0 : index
      %get3A_128 = vector.load %arg9[%get3A_126, %get3A_127] : memref<1x1024xf32, #tpu.memory_space<vmem>>, vector<1x1024xf32>
      %mul3A_129 = vector.broadcast %get3A_128 : vector<1x1024xf32> to vector<2048x1024xf32>
      %mul3A_130 = arith.mulf %mul3A_120, %mul3A_129 : vector<2048x1024xf32>
      %add3A_131 = arith.addf %get3A_125, %mul3A_130 : vector<2048x1024xf32>
      %get3A_132 = arith.constant 0 : index
      %get3A_133 = arith.constant 0 : index
      %get3A_134 = vector.load %arg10[%get3A_132, %get3A_133] : memref<1x1024xf32, #tpu.memory_space<vmem>>, vector<1x1024xf32>
      %add3A_135 = vector.broadcast %get3A_134 : vector<1x1024xf32> to vector<2048x1024xf32>
      %add3A_136 = arith.addf %add3A_131, %add3A_135 : vector<2048x1024xf32>
      %swap3A_137 = arith.constant 0 : index
      %swap3A_138 = arith.constant 0 : index
      %swap3A_139 = arith.constant 0 : index
      %swap3A_140 = vector.load %arg11[%swap3A_137, %swap3A_138, %swap3A_139] : memref<1x2048x1024xf32, #tpu.memory_space<vmem>>, vector<1x2048x1024xf32>
      %swap3A_141 = vector.shape_cast %swap3A_140 : vector<1x2048x1024xf32> to vector<2048x1024xf32>
      %swap3A_142 = vector.shape_cast %add3A_136 : vector<2048x1024xf32> to vector<1x2048x1024xf32>
      tpu.vector_store %arg11[%swap3A_137, %swap3A_138, %swap3A_139], %swap3A_142 {strides = array<i32>} : memref<1x2048x1024xf32, #tpu.memory_space<vmem>>, vector<1x2048x1024xf32>,
    } else {
    }
    return
  }
  func.func @transform_0(%arg0: i32, %arg1: i32, %arg2: memref<8xi32, #tpu.memory_space<smem>>, %arg3: memref<8xf32, #tpu.memory_space<smem>>) -> (i32, i32, i32) {
    %jit3A = arith.constant 2 : i32
    %div3A = arith.divsi %arg0, %jit3A : i32
    %sign3A = arith.constant 0 : i32
    %sign3A_0 = arith.cmpi sgt, %arg0, %sign3A : i32
    %sign3A_1 = arith.extui %sign3A_0 : i1 to i32
    %sign3A_2 = arith.constant 0 : i32
    %sign3A_3 = arith.cmpi slt, %arg0, %sign3A_2 : i32
    %sign3A_4 = arith.extui %sign3A_3 : i1 to i32
    %sign3A_5 = arith.subi %sign3A_1, %sign3A_4 : i32
    %sign3A_6 = arith.constant 0 : i32
    %sign3A_7 = arith.cmpi sgt, %jit3A, %sign3A_6 : i32
    %sign3A_8 = arith.extui %sign3A_7 : i1 to i32
    %sign3A_9 = arith.constant 0 : i32
    %sign3A_10 = arith.cmpi slt, %jit3A, %sign3A_9 : i32
    %sign3A_11 = arith.extui %sign3A_10 : i1 to i32
    %sign3A_12 = arith.subi %sign3A_8, %sign3A_11 : i32
    %ne3A = arith.cmpi ne, %sign3A_5, %sign3A_12 : i32
    %rem3A = arith.remsi %arg0, %jit3A : i32
    %ne3A_13 = arith.constant 0 : i32
    %ne3A_14 = arith.cmpi ne, %rem3A, %ne3A_13 : i32
    %and3A = arith.andi %ne3A, %ne3A_14 : i1
    %sub3A = arith.constant 1 : i32
    %sub3A_15 = arith.subi %div3A, %sub3A : i32
    %select_n3A = arith.select %and3A, %sub3A_15, %div3A : i32
    %c0_i32 = arith.constant 0 : i32
    %c0_i32_16 = arith.constant 0 : i32
    %c0_i32_17 = arith.constant 0 : i32
    return %select_n3A, %c0_i32, %c0_i32_16 : i32, i32, i32
  }
  func.func @transform_1(%arg0: i32, %arg1: i32, %arg2: memref<8xi32, #tpu.memory_space<smem>>, %arg3: memref<8xf32, #tpu.memory_space<smem>>) -> (i32, i32, i32) {
    %get3A = arith.index_cast %arg0 : i32 to index
    %get3A_0 = memref.load %arg2[%get3A] : memref<8xi32, #tpu.memory_space<smem>>
    %c0_i32 = arith.constant 0 : i32
    %c0_i32_1 = arith.constant 0 : i32
    return %get3A_0, %c0_i32, %arg1 : i32, i32, i32
  }
  func.func @transform_2(%arg0: i32, %arg1: i32, %arg2: memref<8xi32, #tpu.memory_space<smem>>, %arg3: memref<8xf32, #tpu.memory_space<smem>>) -> (i32, i32, i32) {
    %get3A = arith.index_cast %arg0 : i32 to index
    %get3A_0 = memref.load %arg2[%get3A] : memref<8xi32, #tpu.memory_space<smem>>
    %c0_i32 = arith.constant 0 : i32
    %c0_i32_1 = arith.constant 0 : i32
    return %get3A_0, %c0_i32, %arg1 : i32, i32, i32
  }
  func.func @transform_3(%arg0: i32, %arg1: i32, %arg2: memref<8xi32, #tpu.memory_space<smem>>, %arg3: memref<8xf32, #tpu.memory_space<smem>>) -> (i32, i32, i32) {
    %get3A = arith.index_cast %arg0 : i32 to index
    %get3A_0 = memref.load %arg2[%get3A] : memref<8xi32, #tpu.memory_space<smem>>
    %c0_i32 = arith.constant 0 : i32
    %c0_i32_1 = arith.constant 0 : i32
    return %get3A_0, %arg1, %c0_i32 : i32, i32, i32
  }
  func.func @transform_4(%arg0: i32, %arg1: i32, %arg2: memref<8xi32, #tpu.memory_space<smem>>, %arg3: memref<8xf32, #tpu.memory_space<smem>>) -> (i32, i32, i32) {
    %get3A = arith.index_cast %arg0 : i32 to index
    %get3A_0 = memref.load %arg2[%get3A] : memref<8xi32, #tpu.memory_space<smem>>
    %c0_i32 = arith.constant 0 : i32
    %c0_i32_1 = arith.constant 0 : i32
    %c0_i32_2 = arith.constant 0 : i32
    return %get3A_0, %c0_i32, %c0_i32_1 : i32, i32, i32
  }
  func.func @transform_5(%arg0: i32, %arg1: i32, %arg2: memref<8xi32, #tpu.memory_space<smem>>, %arg3: memref<8xf32, #tpu.memory_space<smem>>) -> (i32, i32) {
    %c0_i32 = arith.constant 0 : i32
    %c0_i32_0 = arith.constant 0 : i32
    %c0_i32_1 = arith.constant 0 : i32
    return %c0_i32, %c0_i32_0 : i32, i32
  }
  func.func @transform_6(%arg0: i32, %arg1: i32, %arg2: memref<8xi32, #tpu.memory_space<smem>>, %arg3: memref<8xf32, #tpu.memory_space<smem>>) -> (i32, i32) {
    %c0_i32 = arith.constant 0 : i32
    %c0_i32_0 = arith.constant 0 : i32
    %c0_i32_1 = arith.constant 0 : i32
    return %c0_i32, %c0_i32_0 : i32, i32
  }
  func.func @transform_7(%arg0: i32, %arg1: i32, %arg2: memref<8xi32, #tpu.memory_space<smem>>, %arg3: memref<8xf32, #tpu.memory_space<smem>>) -> (i32, i32, i32) {
    %jit3A = arith.constant 2 : i32
    %div3A = arith.divsi %arg0, %jit3A : i32
    %sign3A = arith.constant 0 : i32
    %sign3A_0 = arith.cmpi sgt, %arg0, %sign3A : i32
    %sign3A_1 = arith.extui %sign3A_0 : i1 to i32
    %sign3A_2 = arith.constant 0 : i32
    %sign3A_3 = arith.cmpi slt, %arg0, %sign3A_2 : i32
    %sign3A_4 = arith.extui %sign3A_3 : i1 to i32
    %sign3A_5 = arith.subi %sign3A_1, %sign3A_4 : i32
    %sign3A_6 = arith.constant 0 : i32
    %sign3A_7 = arith.cmpi sgt, %jit3A, %sign3A_6 : i32
    %sign3A_8 = arith.extui %sign3A_7 : i1 to i32
    %sign3A_9 = arith.constant 0 : i32
    %sign3A_10 = arith.cmpi slt, %jit3A, %sign3A_9 : i32
    %sign3A_11 = arith.extui %sign3A_10 : i1 to i32
    %sign3A_12 = arith.subi %sign3A_8, %sign3A_11 : i32
    %ne3A = arith.cmpi ne, %sign3A_5, %sign3A_12 : i32
    %rem3A = arith.remsi %arg0, %jit3A : i32
    %ne3A_13 = arith.constant 0 : i32
    %ne3A_14 = arith.cmpi ne, %rem3A, %ne3A_13 : i32
    %and3A = arith.andi %ne3A, %ne3A_14 : i1
    %sub3A = arith.constant 1 : i32
    %sub3A_15 = arith.subi %div3A, %sub3A : i32
    %select_n3A = arith.select %and3A, %sub3A_15, %div3A : i32
    %c0_i32 = arith.constant 0 : i32
    %c0_i32_16 = arith.constant 0 : i32
    %c0_i32_17 = arith.constant 0 : i32
    return %select_n3A, %c0_i32, %c0_i32_16 : i32, i32, i32
  }
}

</mosaic_0001>

<sc_bundles>
// kernel: kernel.5.cloned.1.call-start
scs
__scs_entry_jumppad:
0x0: {  	(pc) =	sbr.rel $0x88, $3  }
0x1: {  	(tag) =	ssettag $0x0;
	lr =	simm.s32 $0x1  }
0x2: {  	[smem:$0x3F97] =	sst lr;
	_ =	strace $0xD0000000  }
0x3: {  	_ = 	snop  }
0x4: {  	_ = 	snop  }
0x5: {  	_ = 	snop  }
0x6: {  	_ = 	snop  }
0x7: {  	_ = 	snop  }
__scs_overlays_trampoline_lowered:
0x8: {  	[smem:$0x3FA6] =	sst s0  }
0x9: {  	[smem:$0x3FA7] =	sst s1  }
0xa: {  	[smem:$0x3FA8] =	sst s2  }
0xb: {  	[smem:$0x3FA9] =	sst s3  }
0xc: {  	[smem:$0x3FAA] =	sst s4  }
0xd: {  	[smem:$0x3FAB] =	sst s5  }
0xe: {  	[smem:$0x3FAC] =	sst s6  }
0xf: {  	[smem:$0x3FAD] =	sst s7  }
0x10: {  	[smem:$0x3FAE] =	sst s8  }
0x11: {  	[smem:$0x3FAF] =	sst s9;
	s0 =	simm.s32 @!p0 $0x0  }
0x12: {  	s1 =	sld [smem:$0x3F95];
	s0 =	simm.s32 @p0 $0x1  }
0x13: {  	[smem:$0x3FB0] =	sst s0;
	s0 =	simm.s32 @!p1 $0x0  }
0x14: {  	s2 =	sld [smem:$0x3F94];
	s0 =	simm.s32 @p1 $0x1  }
0x15: {  	[smem:$0x3FB1] =	sst s0;
	s0 =	simm.s32 @!p2 $0x0  }
0x16: {  	s3 =	sld [smem:$0x3FDB];
	s0 =	simm.s32 @p2 $0x1  }
0x17: {  	s4 =	simm.s32 $0x1BF5;
	[smem:$0x3FB3] =	sst s0  }
0x18: {  	s0 =	sld [smem:$0x3F96];
	_ =	swait.ge [sflag:s4], $0x0  }
0x19: {  	s7 =	sld [smem:$0x3F97]  }
0x1a: {  	s8 =	sadd.s32 $0xFFFFE003, lr  }
0x1b: {  	s9 =	sadd.s32 $0xFFFFFEF7, lr;
	s5 =	simm.s32 $0xFFFFFFFF;
	p2 =	slt.u32 s8, $0xFFFFF086  }
0x1c: {  	p1 =	slt.u32 s9, $0xF7A;
	s5 =	simm.s32 @!p2 $0x0  }
0x1d: {  	s5 =	simm.s32 @p1 $0x1;
	p0 =	seq.s32 s7, s2  }
0x1e: {  	s7 =	smul.u32 @!p0 $0xF7A, s2;
	p2 =	seq.s32 @!p0 s5, $0x0  }
0x1f: {  	s9 =	smul.u32 $0xF7A, s1;
	s8 =	simm.s32 @!p0 $0x1BF5;
	p2 =	por !p2, p0  }
0x20: {  	[sflag:s8] =	ssyncset.s32 @!p0 $0xFFFFF086;
	s6 =	sadd.s32 @!p0 s3, s7;
	s7 =	simm.s32 @!p0 $0x108  }
0x21: {  	s3 =	sadd.s32 s3, s9;
	s6 =	sadd.s32 @!p0 $0x88, s6;
	s7 =	simm.s32 @p2 $0x1082  }
0x22: {  	[simem:s7], [sflag:s8] =	dma.local @!p0 [hbm:s6], $0xF7A  }
0x23: {  	s9 =	sor.u32 $0xD0000000, s2;
	s6 =	simm.s32 $0x108;
	_ =	swait.ge @!p0 [sflag:s8], $0x0  }
0x24: {  	s3 =	sadd.s32 $0x88, s3;
	s6 =	simm.s32 @!p1 $0x1082;
	[sflag:s4] =	ssyncset.s32 $0xFFFFF086  }
0x25: {  	[simem:s6], [sflag:s4] =	dma.local [hbm:s3], $0xF7A  }
0x26: {  	[smem:$0x3F97] =	sst s1;
	(tag) =	ssettag s2;
	_ =	strace s9  }
0x27: {  	s1 =	sld [smem:$0x3FA7]  }
0x28: {  	s2 =	sld [smem:$0x3FA8]  }
0x29: {  	s4 =	sld [smem:$0x3FAA]  }
0x2a: {  	p0 =	seq.s32 s5, $0x0;
	s5 =	sld [smem:$0x3FAB]  }
0x2b: {  	s6 =	sld [smem:$0x3FAC]  }
0x2c: {  	s7 =	sld [smem:$0x3FAD]  }
0x2d: {  	s3 =	simm.s32 $0x108;
	s8 =	sld [smem:$0x3FAE]  }
0x2e: {  	s3 =	simm.s32 @!p0 $0x1082;
	s9 =	sld [smem:$0x3FAF]  }
0x2f: {  	lr =	sadd.s32 s0, s3;
	s0 =	sld [smem:$0x3FA6]  }
0x30: {  	s3 =	sld [smem:$0x3FA9]  }
0x31: {  	[smem:$0x3FB2] =	sst s10  }
0x32: {  	s10 =	sld [smem:$0x3FB0];
	_ =	sdelay $0x3  }
0x33: {  	p0 =	seq.s32 s10, $0x1;
	s10 =	sld [smem:$0x3FB2];
	_ =	sdelay $0x3  }
0x34: {  	[smem:$0x3FB2] =	sst s10  }
0x35: {  	s10 =	sld [smem:$0x3FB1];
	_ =	sdelay $0x3  }
0x36: {  	p1 =	seq.s32 s10, $0x1;
	s10 =	sld [smem:$0x3FB2];
	_ =	sdelay $0x3  }
0x37: {  	[smem:$0x3FB2] =	sst s10  }
0x38: {  	s10 =	sld [smem:$0x3FB3]  }
0x39: {  	_ = 	snop;
	(pc) =	sbr.ind lr, $3  }
0x3a: {  	_ = 	snop  }
0x3b: {  	_ = 	snop  }
0x3c: {  	p2 =	seq.s32 s10, $0x1;
	s10 =	sld [smem:$0x3FB2]  }
0x3d: {  	_ =	shalt  }
0x3e: {  	_ =	shalt  }
0x3f: {  	_ =	shalt  }
0x40: {  	_ =	shalt  }
0x41: {  	_ =	shalt  }
0x42: {  	_ =	shalt  }
0x43: {  	_ =	shalt  }
0x44: {  	_ =	shalt  }
0x45: {  	_ =	shalt  }
0x46: {  	_ =	shalt  }
0x47: {  	_ =	shalt  }
0x48: {  	_ =	shalt  }
0x49: {  	_ =	shalt  }
0x4a: {  	_ =	shalt  }
0x4b: {  	_ =	shalt  }
0x4c: {  	_ =	shalt  }
0x4d: {  	_ =	shalt  }
0x4e: {  	_ =	shalt  }
0x4f: {  	_ =	shalt  }
0x50: {  	_ =	shalt  }
0x51: {  	_ =	shalt  }
0x52: {  	_ =	shalt  }
0x53: {  	_ =	shalt  }
0x54: {  	_ =	shalt  }
0x55: {  	_ =	shalt  }
0x56: {  	_ =	shalt  }
0x57: {  	_ =	shalt  }
0x58: {  	_ =	shalt  }
0x59: {  	_ =	shalt  }
0x5a: {  	_ =	shalt  }
0x5b: {  	_ =	shalt  }
0x5c: {  	_ =	shalt  }
0x5d: {  	_ =	shalt  }
0x5e: {  	_ =	shalt  }
0x5f: {  	_ =	shalt  }
0x60: {  	_ =	shalt  }
0x61: {  	_ =	shalt  }
0x62: {  	_ =	shalt  }
0x63: {  	_ =	shalt  }
0x64: {  	_ =	shalt  }
0x65: {  	_ =	shalt  }
0x66: {  	_ =	shalt  }
0x67: {  	_ =	shalt  }
0x68: {  	_ =	shalt  }
0x69: {  	_ =	shalt  }
0x6a: {  	_ =	shalt  }
0x6b: {  	_ =	shalt  }
0x6c: {  	_ =	shalt  }
0x6d: {  	_ =	shalt  }
0x6e: {  	_ =	shalt  }
0x6f: {  	_ =	shalt  }
0x70: {  	_ =	shalt  }
0x71: {  	_ =	shalt  }
0x72: {  	_ =	shalt  }
0x73: {  	_ =	shalt  }
0x74: {  	_ =	shalt  }
0x75: {  	_ =	shalt  }
0x76: {  	_ =	shalt  }
0x77: {  	_ =	shalt  }
0x78: {  	_ =	shalt  }
0x79: {  	_ =	shalt  }
0x7a: {  	_ =	shalt  }
0x7b: {  	_ =	shalt  }
0x7c: {  	_ =	shalt  }
0x7d: {  	_ =	shalt  }
0x7e: {  	_ =	shalt  }
0x7f: {  	_ =	shalt  }
0x80: {  	_ =	shalt  }
0x81: {  	_ =	shalt  }
0x82: {  	_ =	shalt  }
0x83: {  	_ =	shalt  }
0x84: {  	_ =	shalt  }
0x85: {  	_ =	shalt  }
0x86: {  	_ =	shalt  }
0x87: {  	_ =	shalt  }
.Lfunc_end0:
.L_simem_size_0:
called_computation_lowered:
.L_overlay_start_0:
0x88: {  	s2 =	sld [smem:$0x3FD9]  }
0x89: {  	s3 =	sld [smem:$0x3FFE];
	_ =	sdelay $0x1  }
0x8a: {  	s1 =	srdreg.scid  }
0x8b: {  	s0 =	sand.u32 $0x1, s1  }
0x8c: {  	s14 =	sshll.u32 s0, $0xA;
	s2 =	sadd.s32 s3, s2  }
0x8d: {  	s2 =	sadd.s32 s2, s14  }
0x8e: {  	[smem:$0x3FBE] =	sst s2  }
0x8f: {  	_ = 	snop  }
0x90: {  	s2 =	sld [smem:$0x3FD0];
	_ =	sdelay $0x2  }
0x91: {  	s15 =	simm.s32 $0xA;
	s4 =	simm.s32 $0x10  }
0x92: {  	[smem:s4], [sflag:s15] =	dma.local [hbm:s2], $0x1  }
0x93: {  	_ =	swait.eq [sflag:s15], $0x1  }
0x94: {  	s16 =	sld [smem:$0x10];
	[sflag:s15] =	ssyncset.done $0x0  }
0x95: {  	s17 =	sld [smem:$0x11];
	[sflag:s15] =	ssyncadd.s32 $0xFFFFFFFF  }
0x96: {  	s18 =	sld [smem:$0x12];
	(tm) =	ssettm $0x1  }
0x97: {  	s5 =	sld [smem:$0x3FFB];
	_ =	sdelay $0x3  }
0x98: {  	_ =	strace s5  }
0x99: {  	s5 =	sld [smem:$0x3FFC];
	_ =	sdelay $0x3  }
0x9a: {  	_ =	strace s5  }
0x9b: {  	s5 =	sld [smem:$0x3FFD];
	_ =	sdelay $0x3  }
0x9c: {  	_ =	strace s5  }
0x9d: {  	_ =	strace $0x8FFFFFFF  }
0x9e: {  	s19 =	sld [smem:$0x3FDB];
	_ =	sdelay $0x1  }
0x9f: {  	s6 =	simm.s32 $_scs_section_size  }
0xa0: {  	s7 =	simm.s32 $_size__tile_overlayer_lowered;
	s8 =	simm.s32 $_tile_overlayer_lowered  }
0xa1: {  	s22 =	simm.s32 $0x1BFF;
	s21 =	sshll.u32 s8, $0x1;
	s5 =	sadd.s32 s6, s19  }
0xa2: {  	s9 =	simm.s32 $0x0;
	s20 =	sshll.u32 s7, $0x1;
	s7 =	sadd.s32 s21, s5  }
0xa3: {  	[timem:s9], [sflag:s22] =	dma.local [hbm:s7], s20  }
0xa4: {  	_ =	swait.ge [sflag:s22], s20  }
0xa5: {  	s6 =	ssub.s32 $0x0, s20;
	[sflag:s22] =	ssyncset.done $0x0  }
0xa6: {  	[sflag:s22] =	ssyncadd.s32 s6;
	_ =	sdelay $0x1  }
0xa7: {  	s23 =	simm.s32 $0x1B8B  }
0xa8: {  	_ =	swait.ge [sflag:s23], $0x1  }
0xa9: {  	[sflag:s23] =	ssyncset.done $0x0  }
0xaa: {  	s25 =	simm.s32 $0x1B8E;
	s24 =	sld [smem:$0x3FFE];
	[sflag:s23] =	ssyncadd.s32 $0xFFFFFFFF  }
0xab: {  	s26 =	simm.s32 $execute0_lowered;
	[smem:$0x3FD2] =	sst s25  }
0xac: {  	s7 =	sshll.u32 s26, $0x1;
	_ =	strace $0x80000046;
	[dreg:$0x1] =	wrdreg $0xFFFFFFFF  }
0xad: {  	s28 =	simm.s32 $_size_execute0_lowered;
	s5 =	sadd.s32 s5, s7;
	[dreg:$0x0] =	wrdreg $0x0  }
0xae: {  	s7 =	sshll.u32 s28, $0x1;
	[dreg:$0x2] =	wrdreg s5  }
0xaf: {  	[dreg:$0x3] =	wrdreg s7  }
0xb0: {  	[dreg:$0x4] =	wrdreg $0xC0  }
0xb1: {  	_ =	task [dreg:s9], $0x5FFFF  }
0xb2: {  	[dreg:$0x1] =	wrdreg $0xFFFFFFFF  }
0xb3: {  	[dreg:$0x0] =	wrdreg $0x60  }
0xb4: {  	[dreg:$0x2] =	wrdreg s16  }
0xb5: {  	[dreg:$0x3] =	wrdreg s17  }
0xb6: {  	[dreg:$0x4] =	wrdreg s24  }
0xb7: {  	[dreg:$0x5] =	wrdreg s18  }
0xb8: {  	[dreg:$0x6] =	wrdreg $0x9  }
0xb9: {  	_ =	task.clear_ibuf [dreg:s9], $0x7FFFF;
	_ =	strace $0x90000046  }
0xba: {  	s29 =	simm.s32 $0x9;
	_ =	strace $0x80000048  }
0xbb: {  	_ =	swait.ge [sflag:s29], $0x1  }
0xbc: {  	[sflag:s29] =	ssyncadd.s32 $0xFFFFFFFF  }
0xbd: {  	_ =	strace $0x90000048  }
0xbe: {  	_ =	sfence  }
0xbf: {  	s30 =	sld [smem:$0x0];
	_ =	sdelay $0x2  }
0xc0: {  	s31 =	sshll.u32 s1, $0xD;
	s1 =	sshrl.u32 s1, $0x2  }
0xc1: {  	s3 =	sand.u32 $0x4000, s31;
	s1 =	sadd.s32 s1, s30  }
0xc2: {  	s0 =	sor.u32 s3, s0;
	s1 =	sshll.u32 s1, $0x11  }
0xc3: {  	s0 =	sor.u32 s1, s0  }
0xc4: {  	s0 =	sadd.s32 $0x8F2B, s0  }
0xc5: {  	[sflag:s0] =	ssyncadd.remote.s32 $0x1  }
0xc6: {  	_ =	sfence.sel $0xFFFF  }
0xc7: {  	[dreg:$0x0] =	wrdreg $0xFFFFFFFF;
	(pc) =	sbr.abs _section_cstart, $3  }
0xc8: {  	[dreg:$0x1] =	wrdreg $0xFFFFFFFF  }
0xc9: {  	_ =	task.clear_ibuf [dreg:s9], $0x2FFFF;
	_ =	strace $0x9FFFFFFF  }
0xca: {  	(tm) =	ssettm $0x7FFFFFFF  }
0xcb: {  	_ =	shalt  }
tec
execute0_lowered:
.L_overlay_start_1:
0x0: {  	(tag) =	ssettag $0x1  }
0x1: {  	s0 =	srdreg.scid  }
0x2: {  	s8 =	sand.u32 $0x1, s0;
	s0 =	stileid.u32  }
0x3: {  	s5 =	sor.u32 s0, s8  }
0x4: {  	p0 =	sne.s32 s5, $0x0  }
.Ltmp0:
0x5: {  	s3 =	rddreg [dreg:$0x0];
	(pc) =	sbr.rel @p0 .LBB2_4-.Ltmp0, $4  }
0x6: {  	s4 =	rddreg [dreg:$0x1]  }
0x7: {  	s7 =	rddreg [dreg:$0x2]  }
0x8: {  	s2 =	rddreg [dreg:$0x3]  }
0x9: {  	s1 =	rddreg [dreg:$0x4];
	_ =	strace $0x80000047  }
0xa: {  	s6 =	simm.s32 $0x0;
	s5 =	simm.s32 $0x1  }
0xb: {  	[tilespmem:s6], [sflag:$0x1] =	stream.linear.gather [hbm4b:s3+s6], $0x200, $0x38;
	[tilespmem:$0x880] =	vst v63  }
0xc: {  	_ =	swait.ge [sflag:s5], $0x200  }
0xd: {  	[sflag:s5] =	ssyncset.done $0x0  }
0xe: {  	[sflag:s5] =	ssyncadd.s32 $0xFFFFFE00  }
0xf: {  	v0 =	vld [tilespmem:$0x100];
	_ =	sdelay $0x2  }
0x10: {  	v1 =	vld [tilespmem:$0x0]  }
0x11: {  	v2 =	vld [tilespmem:$0x80]  }
0x12: {  	(xrf0) =	vmax.scan.msk.f32 $0xffff, v0;
	_ =	sdelay $0x1  }
0x13: {  	v3 =	vld [tilespmem:$0x180]  }
0x14: {  	(xrf0) =	vmax.scan.msk.f32 $0xffff, v1  }
0x15: {  	(xrf0) =	vmax.scan.msk.f32 $0xffff, v2;
	_ =	sdelay $0x1  }
0x16: {  	v4, _, _ =	vpop (xrf0)  }
0x17: {  	(xrf0) =	vmax.scan.msk.f32 $0xffff, v3;
	v4 =	vbroadcast v4, $0xF;
	_ =	sdelay $0x1  }
0x18: {  	v5, _, _ =	vpop (xrf0);
	v0 =	vsub.f32 v0, v4  }
0x19: {  	v43 =	vbroadcast v5, $0xF;
	v44, _, _ =	vpop (xrf0)  }
0x1a: {  	v5 =	vbroadcast v44, $0xF;
	v0 =	vmul.f32 $1.442695020e+00, v0  }
0x1b: {  	v1 =	vsub.f32 v1, v43  }
0x1c: {  	v2 =	vsub.f32 v2, v5;
	v45, _, _ =	vpop (xrf0);
	(erf) = vpow2.f32 v0  }
0x1d: {  	v1 =	vmul.f32 $1.442695020e+00, v1;
	v0 =	vbroadcast v45, $0xF  }
0x1e: {  	v2 =	vmul.f32 $1.442695020e+00, v2  }
0x1f: {  	(erf) = vpow2.f32 v1;
	v0 =	vsub.f32 v3, v0  }
0x20: {  	(erf) = vpow2.f32 v2  }
0x21: {  	v0 =	vmul.f32 $1.442695020e+00, v0;
	_ =	sdelay $0x1  }
0x22: {  	(erf) = vpow2.f32 v0;
	_ =	sdelay $0x1  }
0x23: {  	v0 =	vpop (erf)  }
0x24: {  	(xrf2) =	vadd.scan.msk.f32 $0xffff, v0;
	_ =	sdelay $0x1  }
0x25: {  	v1 =	vpop (erf)  }
0x26: {  	v2 =	vpop (erf)  }
0x27: {  	(xrf2) =	vadd.scan.msk.f32 $0xffff, v2  }
0x28: {  	(xrf2) =	vadd.scan.msk.f32 $0xffff, v1  }
0x29: {  	v3 =	vpop (erf)  }
0x2a: {  	(xrf2) =	vadd.scan.msk.f32 $0xffff, v3;
	_ =	sdelay $0x2  }
0x2b: {  	v46, _, _ =	vpop (xrf2)  }
0x2c: {  	v4 =	vbroadcast v46, $0xF;
	_ =	sdelay $0x1  }
0x2d: {  	(erf) = vrcp.f32 v4  }
0x2e: {  	v47, _, _ =	vpop (xrf2)  }
0x2f: {  	v4 =	vbroadcast v47, $0xF;
	v48, _, _ =	vpop (xrf2)  }
0x30: {  	v5 =	vbroadcast v48, $0xF  }
0x31: {  	(erf) = vrcp.f32 v4;
	v49, _, _ =	vpop (xrf2)  }
0x32: {  	(erf) = vrcp.f32 v5;
	v4 =	vbroadcast v49, $0xF;
	_ =	sdelay $0x1  }
0x33: {  	(erf) = vrcp.f32 v4;
	_ =	sdelay $0x1  }
0x34: {  	v50 =	vpop (erf)  }
0x35: {  	v4 =	vmul.f32 v50, v0  }
0x36: {  	v0 =	vlaneseq.u32  }
0x37: {  	(xrf1) =	vsort.dscd.msk.f32 $0xffff, v4, v0  }
0x38: {  	v51 =	vpop (erf)  }
0x39: {  	v2 =	vmul.f32 v51, v2;
	v52 =	vpop (erf)  }
0x3a: {  	v1 =	vmul.f32 v52, v1  }
0x3b: {  	(xrf1) =	vsort.dscd.msk.f32 $0xffff, v2, v0;
	v53 =	vpop (erf)  }
0x3c: {  	v6 =	vadd.f32 $0.0e+00, v1;
	(xrf1) =	vsort.dscd.msk.f32 $0xffff, v1, v0;
	v3 =	vmul.f32 v53, v3;
	_ =	sdelay $0x1  }
0x3d: {  	v54 =	vadd.f32 v2, v6;
	(xrf1) =	vsort.dscd.msk.f32 $0xffff, v3, v0;
	_ =	sdelay $0x1  }
0x3e: {  	v5 =	vadd.f32 v4, v54;
	_ =	sdelay $0x1  }
0x3f: {  	v5 =	vadd.f32 v3, v5;
	_ =	sdelay $0x1  }
0x40: {  	v5 =	vmul.f32 $2.500000000e-01, v5  }
0x41: {  	vm0 =	vmmov $0x3;
	v55, v7, _ =	vpop (xrf1)  }
0x42: {  	v5 =	vmul.f32 v5, v5;
	v8 =	vnsel vm0, $0x0, v55  }
0x43: {  	(xrf2) =	vadd.scan.msk.f32 $0xffff, v8  }
0x44: {  	(xrf2) =	vadd.scan.msk.f32 $0xffff, v5  }
0x45: {  	v57, v56, _ =	vpop (xrf1)  }
0x46: {  	v9, v10, _ =	vpop (xrf1)  }
0x47: {  	v11 =	vnsel vm0, $0x0, v9  }
0x48: {  	(xrf2) =	vadd.scan.msk.f32 $0xffff, v11;
	v58, v12, _ =	vpop (xrf1)  }
0x49: {  	v13 =	vnsel vm0, $0x0, v58  }
0x4a: {  	v14 =	vnsel vm0, $0x0, v57;
	(xrf2) =	vadd.scan.msk.f32 $0xffff, v13  }
0x4b: {  	(xrf2) =	vadd.scan.msk.f32 $0xffff, v14;
	_ =	sdelay $0x1  }
0x4c: {  	v59, _, _ =	vpop (xrf2)  }
0x4d: {  	v60, _, _ =	vpop (xrf2)  }
0x4e: {  	(v2sf) =	vpush v60, $0xF  }
0x4f: {  	v13 =	vbroadcast v59, $0xF;
	_ =	sdelay $0x1  }
0x50: {  	v61, _, _ =	vpop (xrf2);
	(erf) = vrcp.f32 v13  }
0x51: {  	v14 =	vbroadcast v61, $0xF  }
0x52: {  	v62, _, _ =	vpop (xrf2)  }
0x53: {  	(erf) = vrcp.f32 v14;
	v13 =	vbroadcast v62, $0xF;
	v63, _, _ =	vpop (xrf2)  }
0x54: {  	v14 =	vbroadcast v63, $0xF  }
0x55: {  	(erf) = vrcp.f32 v13  }
0x56: {  	[tilespmem:$0x300] =	vst v4;
	(erf) = vrcp.f32 v14  }
0x57: {  	[tilespmem:$0x280] =	vst v2  }
0x58: {  	[tilespmem:$0x200] =	vst v1  }
0x59: {  	[tilespmem:$0x380] =	vst v3;
	v1 =	vpop (erf)  }
0x5a: {  	[tilespmem:$0x500] =	vst v7;
	v1 =	vmul.f32 v1, v55  }
0x5b: {  	[tilespmem:$0x480] =	vst v56  }
0x5c: {  	[tilespmem:$0x400] =	vst v10;
	v2 =	vpop (erf);
	s9 =	spop (v2sf)  }
0x5d: {  	s31 =	ssub.s32 $0x2, s8;
	[tilespmem:$0x580] =	vst v12;
	v2 =	vmul.f32 v2, v9;
	s9 =	smul.f32 $8.000000000e+00, s9  }
0x5e: {  	s10 =	sshrl.u32 s31, $0x1;
	[tilespmem:$0x700] =	vst v1;
	v1 =	vpop (erf)  }
0x5f: {  	s13 =	ssub.s32 s31, s10;
	[tilespmem:$0x600] =	vst v2;
	v1 =	vmul.f32 v1, v58;
	v3 =	vpop (erf);
	v2 =	vmov s9  }
0x60: {  	p0 =	sne.s32 s13, $0x1;
	[tilespmem:$0x800] =	vst v2;
	v2 =	vmul.f32 v3, v57  }
.Ltmp1:
0x61: {  	[tilespmem:$0x780] =	vst v1;
	(pc) =	sbr.rel @!p0 .LBB2_3-.Ltmp1, $4  }
0x62: {  	s8 =	sadd.s32 $0xC00, s7;
	s7 =	sadd.s32 $0xE00, s7;
	s12 =	simm.s32 $0x200;
	[tilespmem:$0x680] =	vst v2  }
0x63: {  	[hbm4b:s4+s6] =	stream.linear.scatter [tilespmem:s12], [sflag:$0x1], $0x200, $0x38;
	[tilespmem:$0x880] =	vst v63  }
0x64: {  	s11 =	simm.s32 $0x400;
	s10 =	simm.s32 $0x600;
	_ =	swait.ge [sflag:s5], $0x200  }
0x65: {  	s13 =	sadd.s32 $0xFFFFFFFF, s13;
	s9 =	simm.s32 $0x800;
	[sflag:s5] =	ssyncset.done $0x0  }
.LBB2_2:
0x66: {  	p0 =	sne.s32 s13, $0x1;
	s13 =	sadd.s32 $0xFFFFFFFF, s13;
	[sflag:s5] =	ssyncadd.s32 $0xFFFFFE00  }
0x67: {  	[hbm4b:s8+s6] =	stream.linear.scatter [tilespmem:s11], [sflag:$0x1], $0x200, $0x38;
	[tilespmem:$0x880] =	vst v63  }
0x68: {  	_ =	swait.ge [sflag:s5], $0x200  }
0x69: {  	[sflag:s5] =	ssyncset.done $0x0  }
0x6a: {  	[sflag:s5] =	ssyncadd.s32 $0xFFFFFE00  }
0x6b: {  	[hbm4b:s7+s6] =	stream.linear.scatter [tilespmem:s10], [sflag:$0x1], $0x200, $0x38;
	[tilespmem:$0x880] =	vst v63  }
0x6c: {  	_ =	swait.ge [sflag:s5], $0x200  }
0x6d: {  	[sflag:s5] =	ssyncset.done $0x0  }
0x6e: {  	[sflag:s5] =	ssyncadd.s32 $0xFFFFFE00  }
0x6f: {  	[hbm4b:s2+s6] =	stream.linear.scatter [tilespmem:s9], [sflag:$0x1], $0x80, $0x38;
	[tilespmem:$0x880] =	vst v63  }
0x70: {  	_ =	swait.ge [sflag:s5], $0x80  }
0x71: {  	[sflag:s5] =	ssyncset.done $0x0  }
0x72: {  	[sflag:s5] =	ssyncadd.s32 $0xFFFFFF80  }
0x73: {  	[tilespmem:s6], [sflag:$0x1] =	stream.linear.gather [hbm4b:s3+s6], $0x200, $0x38;
	[tilespmem:$0x880] =	vst v63  }
0x74: {  	_ =	swait.ge [sflag:s5], $0x200  }
0x75: {  	[sflag:s5] =	ssyncset.done $0x0  }
0x76: {  	[sflag:s5] =	ssyncadd.s32 $0xFFFFFE00  }
0x77: {  	v1 =	vld [tilespmem:$0x100]  }
0x78: {  	v2 =	vld [tilespmem:$0x0]  }
0x79: {  	v3 =	vld [tilespmem:$0x80]  }
0x7a: {  	v4 =	vld [tilespmem:$0x180];
	_ =	sdelay $0x1  }
0x7b: {  	(xrf0) =	vmax.scan.msk.f32 $0xffff, v1  }
0x7c: {  	(xrf0) =	vmax.scan.msk.f32 $0xffff, v2  }
0x7d: {  	(xrf0) =	vmax.scan.msk.f32 $0xffff, v3  }
0x7e: {  	(xrf0) =	vmax.scan.msk.f32 $0xffff, v4;
	_ =	sdelay $0x2  }
0x7f: {  	v5, _, _ =	vpop (xrf0)  }
0x80: {  	v8 =	vbroadcast v5, $0xF;
	v6, _, _ =	vpop (xrf0)  }
0x81: {  	v6 =	vbroadcast v6, $0xF;
	v7, _, _ =	vpop (xrf0)  }
0x82: {  	v7 =	vbroadcast v7, $0xF;
	v1 =	vsub.f32 v1, v8;
	v5, _, _ =	vpop (xrf0)  }
0x83: {  	v2 =	vsub.f32 v2, v6;
	v5 =	vbroadcast v5, $0xF  }
0x84: {  	v3 =	vsub.f32 v3, v7;
	v1 =	vmul.f32 $1.442695020e+00, v1  }
0x85: {  	v2 =	vmul.f32 $1.442695020e+00, v2;
	v4 =	vsub.f32 v4, v5  }
0x86: {  	v3 =	vmul.f32 $1.442695020e+00, v3;
	(erf) = vpow2.f32 v1  }
0x87: {  	v1 =	vmul.f32 $1.442695020e+00, v4;
	(erf) = vpow2.f32 v2  }
0x88: {  	(erf) = vpow2.f32 v3;
	_ =	sdelay $0x6  }
0x89: {  	v2 =	vpop (erf);
	(erf) = vpow2.f32 v1  }
0x8a: {  	v1 =	vpop (erf);
	(xrf2) =	vadd.scan.msk.f32 $0xffff, v2  }
0x8b: {  	v3 =	vpop (erf);
	_ =	sdelay $0x1  }
0x8c: {  	(xrf2) =	vadd.scan.msk.f32 $0xffff, v3;
	_ =	sdelay $0x2  }
0x8d: {  	(xrf2) =	vadd.scan.msk.f32 $0xffff, v1;
	_ =	sdelay $0x1  }
0x8e: {  	v4 =	vpop (erf)  }
0x8f: {  	(xrf2) =	vadd.scan.msk.f32 $0xffff, v4  }
0x90: {  	v5, _, _ =	vpop (xrf2)  }
0x91: {  	v5 =	vbroadcast v5, $0xF;
	_ =	sdelay $0x1  }
0x92: {  	v6, _, _ =	vpop (xrf2);
	(erf) = vrcp.f32 v5  }
0x93: {  	v5 =	vbroadcast v6, $0xF;
	_ =	sdelay $0x1  }
0x94: {  	v6, _, _ =	vpop (xrf2);
	(erf) = vrcp.f32 v5  }
0x95: {  	v6 =	vbroadcast v6, $0xF;
	_ =	sdelay $0x1  }
0x96: {  	(erf) = vrcp.f32 v6;
	v5, _, _ =	vpop (xrf2)  }
0x97: {  	v5 =	vbroadcast v5, $0xF;
	_ =	sdelay $0x1  }
0x98: {  	v6 =	vpop (erf);
	(erf) = vrcp.f32 v5  }
0x99: {  	v2 =	vmul.f32 v6, v2;
	_ =	sdelay $0x1  }
0x9a: {  	[tilespmem:$0x300] =	vst v2;
	v5 =	vpop (erf);
	(xrf1) =	vsort.dscd.msk.f32 $0xffff, v2, v0  }
0x9b: {  	v3 =	vmul.f32 v5, v3;
	_ =	sdelay $0x1  }
0x9c: {  	[tilespmem:$0x280] =	vst v3;
	v5 =	vpop (erf);
	(xrf1) =	vsort.dscd.msk.f32 $0xffff, v3, v0  }
0x9d: {  	v6 =	vmul.f32 v5, v1;
	_ =	sdelay $0x1  }
0x9e: {  	[tilespmem:$0x200] =	vst v6;
	v5 =	vadd.f32 $0.0e+00, v6;
	(xrf1) =	vsort.dscd.msk.f32 $0xffff, v6, v0;
	v1 =	vpop (erf)  }
0x9f: {  	v1 =	vmul.f32 v1, v4  }
0xa0: {  	v3 =	vadd.f32 v3, v5  }
0xa1: {  	[tilespmem:$0x380] =	vst v1;
	(xrf1) =	vsort.dscd.msk.f32 $0xffff, v1, v0  }
0xa2: {  	v2 =	vadd.f32 v2, v3;
	_ =	sdelay $0x1  }
0xa3: {  	v1 =	vadd.f32 v1, v2;
	_ =	sdelay $0x1  }
0xa4: {  	v1 =	vmul.f32 $2.500000000e-01, v1;
	v2, v3, _ =	vpop (xrf1)  }
0xa5: {  	v5 =	vnsel vm0, $0x0, v2;
	[tilespmem:$0x500] =	vst v3  }
0xa6: {  	v1 =	vmul.f32 v1, v1;
	(xrf2) =	vadd.scan.msk.f32 $0xffff, v5  }
0xa7: {  	v3, v4, _ =	vpop (xrf1)  }
0xa8: {  	v5 =	vnsel vm0, $0x0, v3;
	[tilespmem:$0x480] =	vst v4  }
0xa9: {  	(xrf2) =	vadd.scan.msk.f32 $0xffff, v1  }
0xaa: {  	v1, v4, _ =	vpop (xrf1)  }
0xab: {  	v7 =	vnsel vm0, $0x0, v1;
	[tilespmem:$0x400] =	vst v4  }
0xac: {  	(xrf2) =	vadd.scan.msk.f32 $0xffff, v7  }
0xad: {  	v4, v6, _ =	vpop (xrf1)  }
0xae: {  	v7 =	vnsel vm0, $0x0, v4;
	[tilespmem:$0x580] =	vst v6  }
0xaf: {  	(xrf2) =	vadd.scan.msk.f32 $0xffff, v7  }
0xb0: {  	v6, _, _ =	vpop (xrf2)  }
0xb1: {  	v6 =	vbroadcast v6, $0xF  }
0xb2: {  	(xrf2) =	vadd.scan.msk.f32 $0xffff, v5  }
0xb3: {  	v5, _, _ =	vpop (xrf2)  }
0xb4: {  	(erf) = vrcp.f32 v6;
	(v2sf) =	vpush v5, $0xF;
	_ =	sdelay $0x1  }
0xb5: {  	v5, _, _ =	vpop (xrf2)  }
0xb6: {  	v6 =	vbroadcast v5, $0xF;
	_ =	sdelay $0x1  }
0xb7: {  	(erf) = vrcp.f32 v6;
	v5, _, _ =	vpop (xrf2);
	_ =	sdelay $0x2  }
0xb8: {  	v5 =	vbroadcast v5, $0xF;
	v6, _, _ =	vpop (xrf2)  }
0xb9: {  	v6 =	vbroadcast v6, $0xF;
	v7 =	vpop (erf)  }
0xba: {  	v2 =	vmul.f32 v7, v2;
	(erf) = vrcp.f32 v5  }
0xbb: {  	(erf) = vrcp.f32 v6  }
0xbc: {  	[tilespmem:$0x700] =	vst v2;
	_ =	sdelay $0x1  }
0xbd: {  	v2 =	vpop (erf)  }
0xbe: {  	v1 =	vmul.f32 v2, v1;
	s14 =	spop (v2sf)  }
0xbf: {  	s14 =	smul.f32 $8.000000000e+00, s14  }
0xc0: {  	[tilespmem:$0x600] =	vst v1  }
0xc1: {  	v5 =	vmov s14  }
0xc2: {  	[tilespmem:$0x800] =	vst v5;
	v1 =	vpop (erf)  }
0xc3: {  	v1 =	vmul.f32 v1, v4;
	v2 =	vpop (erf)  }
0xc4: {  	v2 =	vmul.f32 v2, v3  }
.Ltmp2:
0xc5: {  	[tilespmem:$0x780] =	vst v1;
	(pc) =	sbr.rel @p0 .LBB2_2-.Ltmp2, $4  }
0xc6: {  	[tilespmem:$0x680] =	vst v2  }
0xc7: {  	[hbm4b:s4+s6] =	stream.linear.scatter [tilespmem:s12], [sflag:$0x1], $0x200, $0x38;
	[tilespmem:$0x880] =	vst v63  }
0xc8: {  	_ =	swait.ge [sflag:s5], $0x200  }
0xc9: {  	[sflag:s5] =	ssyncset.done $0x0  }
.LBB2_3:
0xca: {  	[sflag:s5] =	ssyncadd.s32 $0xFFFFFE00  }
0xcb: {  	[hbm4b:s8+s6] =	stream.linear.scatter [tilespmem:s11], [sflag:$0x1], $0x200, $0x38;
	[tilespmem:$0x880] =	vst v63  }
0xcc: {  	_ =	swait.ge [sflag:s5], $0x200  }
0xcd: {  	[sflag:s5] =	ssyncset.done $0x0  }
0xce: {  	[sflag:s5] =	ssyncadd.s32 $0xFFFFFE00  }
0xcf: {  	[hbm4b:s7+s6] =	stream.linear.scatter [tilespmem:s10], [sflag:$0x1], $0x200, $0x38;
	[tilespmem:$0x880] =	vst v63  }
0xd0: {  	_ =	swait.ge [sflag:s5], $0x200  }
0xd1: {  	[sflag:s5] =	ssyncset.done $0x0  }
0xd2: {  	[sflag:s5] =	ssyncadd.s32 $0xFFFFFE00  }
0xd3: {  	[hbm4b:s2+s6] =	stream.linear.scatter [tilespmem:s9], [sflag:$0x1], $0x80, $0x38;
	[tilespmem:$0x880] =	vst v63  }
0xd4: {  	_ =	swait.ge [sflag:s5], $0x80  }
0xd5: {  	[sflag:s5] =	ssyncset.done $0x0  }
0xd6: {  	[sflag:s5] =	ssyncadd.s32 $0xFFFFFF80  }
.LBB2_4:
0xd7: {  	_ =	sfence.sel $0x180000  }
0xd8: {  	[bflag:$0x0] =	sbarrier.arrive $0xFFFF  }
0xd9: {  	p0 =	sne.s32 s0, $0x0;
	_ =	strace $0x90000047  }
0xda: {  	s0 =	sadd.s32 @!p0 $0x100000, s1;
	[bflag:$0x2] =	sbarrier.arrive $0xFFFF  }
0xdb: {  	[sflag:s0] =	ssyncadd.tile.s32 @!p0 $0x1;
	_ =	shalt  }
.Lfunc_end2:
_tile_overlayer_lowered:
.L_overlay_start_2:
0xdc: {  	(tag) =	ssettag $0x2  }
0xdd: {  	s0 =	rddreg [dreg:$0x0];
	s2 =	stileid.u32  }
0xde: {  	s1 =	rddreg [dreg:$0x1];
	p0 =	sne.s32 s2, $0x0  }
0xdf: {  	s3 =	rddreg [dreg:$0x2];
	[bflag:$0x3] =	sbarrier.arrive $0xFFFF;
	s2 =	simm.s32 @!p0 $0x1C01  }
0xe0: {  	[timem:s3], [sflag:s2] =	dma.local @!p0 [hbm:s0], s1  }
0xe1: {  	s0 =	simm.s32 @!p0 $0x1  }
0xe2: {  	_ =	swait.ge @!p0 [sflag:s0], s1  }
0xe3: {  	s1 =	ssub.s32 @!p0 $0x0, s1;
	[sflag:s0] =	ssyncset.done @!p0 $0x0  }
0xe4: {  	[sflag:s0] =	ssyncadd.s32 @!p0 s1  }
0xe5: {  	[bflag:$0x3] =	sbarrier.arrive $0xFFFF  }
0xe6: {  	_ =	shalt  }

</sc_bundles>
